<compile_context>
chip_gen: v7x
topology: tpu7x:2x2x1
jax: 0.10.2.dev20260603
libtpu: 0.0.44.dev20260713+nightly
codegen_flags: <defaults>
</compile_context>

<pallas_src>
import functools

import jax
import jax.numpy as jnp
from jax import lax
from jax.experimental import pallas as pl
from jax.experimental.pallas import tpu as pltpu
from jax.experimental.pallas import tpu_sc as plsc

_B = 16
_N = 32768
_EPS = 1e-6

_BS = 1024


_NW = 32
_RW = _N // _NW


def _jet_sc_body(fm_hbm, b_hbm, sp_hbm, out_hbm,
                 fm_v, b_v, sp_v, acc, outv):
    cid = lax.axis_index("c")
    sid = lax.axis_index("s")
    wid = sid * 2 + cid
    base = wid * _RW
    pltpu.sync_copy(fm_hbm.at[pl.ds(base * 4, _RW * 4)], fm_v)
    pltpu.sync_copy(b_hbm.at[pl.ds(base, _RW)], b_v)
    pltpu.sync_copy(sp_hbm.at[pl.ds(base, _RW)], sp_v)

    zeros16 = jnp.zeros((16,), jnp.float32)
    for q in range(64):
        acc[pl.ds(q * 16, 16)] = zeros16

    lane = lax.broadcasted_iota(jnp.int32, (16,), 0)

    def chunk(i, carry):
        r0 = pl.multiple_of(i * 16, 16)
        b16 = b_v[pl.ds(r0, 16)]
        keep = sp_v[pl.ds(r0, 16)] == 0
        rows = r0 + lane
        slot = lane * 64 + b16 * 4
        for c in range(4):
            vals = plsc.load_gather(fm_v, [rows * 4 + c])
            plsc.addupdate_scatter(acc, [slot + c], vals, mask=keep)
        return carry

    lax.fori_loop(0, _RW // 16, chunk, 0)

    for q in range(4):
        s = jnp.zeros((16,), jnp.float32)
        for l in range(16):
            s = s + acc[pl.ds(l * 64 + q * 16, 16)]
        outv[pl.ds(q * 16, 16)] = s

    pltpu.sync_copy(outv, out_hbm.at[wid])


def _jet_sc(fm, batch_i32, spur_i32):
    mesh = plsc.VectorSubcoreMesh(core_axis_name="c", subcore_axis_name="s")
    k = functools.partial(
        pl.kernel, mesh=mesh,
        compiler_params=pltpu.CompilerParams(needs_layout_passes=False),
        out_type=jax.ShapeDtypeStruct((_NW, 64), jnp.float32),
        scratch_types=[
            pltpu.VMEM((_RW * 4,), jnp.float32),
            pltpu.VMEM((_RW,), jnp.int32),
            pltpu.VMEM((_RW,), jnp.int32),
            pltpu.VMEM((1024,), jnp.float32),
            pltpu.VMEM((64,), jnp.float32),
        ],
    )(_jet_sc_body)
    return k(fm, batch_i32, spur_i32)


def _atan2(y, x):
    ax = jnp.abs(x)
    ay = jnp.abs(y)
    hi = jnp.maximum(ax, ay)
    lo = jnp.minimum(ax, ay)
    t = lo / jnp.maximum(hi, 1e-30)
    big = t > 0.4142135623730951
    tr = jnp.where(big, (t - 1.0) / (t + 1.0), t)
    z = tr * tr
    p = (((8.05374449538e-2 * z - 1.38776856032e-1) * z + 1.99777106478e-1) * z
         - 3.33329491539e-1) * z * tr + tr
    a = jnp.where(big, 0.7853981633974483 + p, p)
    a = jnp.where(ay > ax, 1.5707963267948966 - a, a)
    a = jnp.where(x < 0.0, jnp.pi - a, a)
    return jnp.where(y < 0.0, -a, a)


def _fused_kernel(ptr_ref, XA, XB, jetT_ref,
                  W1_ref, b1_ref, W2_ref, b2_ref,
                  feats_o, fml_o, mats_o, det_o, bns_o):
    i = pl.program_id(0)
    o0 = i * _BS
    j = lax.broadcasted_iota(jnp.int32, (_BS, 1), 0) + o0
    bns = jnp.zeros((_BS, 1), jnp.int32)
    for k in range(1, _B):
        bns += (j >= (ptr_ref[k] - k)).astype(jnp.int32)

    XW = jnp.concatenate([XA[...], XB[:16, :]], axis=0)
    X = jnp.zeros((_BS, 19), jnp.float32)
    for s in range(1, _B + 1):
        m = (bns == (s - 1)).astype(jnp.float32)
        X += m * XW[s:s + _BS, :]
    Xf = X[:, 0:4]
    Xs = X[:, 4:12]

    bf = jnp.bfloat16
    pre = jnp.dot(X.astype(bf), W1_ref[...].astype(bf),
                  preferred_element_type=jnp.float32) + b1_ref[...]
    h = jnp.tanh(pre)
    mm = jnp.dot(h.astype(bf), W2_ref[...].astype(bf), preferred_element_type=jnp.float32) + b2_ref[...]
    lane16 = lax.broadcasted_iota(jnp.int32, (1, _B), 1)
    eye = ((lane16 % 5) == 0).astype(jnp.float32)
    mats = mm * 0.1 + eye

    matsT = lax.transpose(mats, (1, 0))
    a = [[matsT[4 * r + c:4 * r + c + 1, :] for c in range(4)] for r in range(4)]
    s0 = a[0][0] * a[1][1] - a[0][1] * a[1][0]
    s1 = a[0][0] * a[1][2] - a[0][2] * a[1][0]
    s2 = a[0][0] * a[1][3] - a[0][3] * a[1][0]
    s3 = a[0][1] * a[1][2] - a[0][2] * a[1][1]
    s4 = a[0][1] * a[1][3] - a[0][3] * a[1][1]
    s5 = a[0][2] * a[1][3] - a[0][3] * a[1][2]
    c0 = a[2][0] * a[3][1] - a[2][1] * a[3][0]
    c1 = a[2][0] * a[3][2] - a[2][2] * a[3][0]
    c2 = a[2][0] * a[3][3] - a[2][3] * a[3][0]
    c3 = a[2][1] * a[3][2] - a[2][2] * a[3][1]
    c4 = a[2][1] * a[3][3] - a[2][3] * a[3][1]
    c5 = a[2][2] * a[3][3] - a[2][3] * a[3][2]
    det = s0 * c5 - s1 * c4 + s2 * c3 + s3 * c2 - s4 * c1 + s5 * c0

    abT = matsT.astype(bf).astype(jnp.float32)
    ab = [[abT[4 * r + c:4 * r + c + 1, :] for c in range(4)] for r in range(4)]
    XfT = lax.transpose(Xf, (1, 0)).astype(bf).astype(jnp.float32)
    fmcols = [XfT[c:c + 1, :] for c in range(4)]
    fml = [sum(ab[r][c] * fmcols[c] for c in range(4)) for r in range(4)]

    jT = lax.broadcasted_iota(jnp.int32, (1, _BS), 1) + o0
    bnsT = jnp.zeros((1, _BS), jnp.int32)
    for k in range(1, _B):
        bnsT += (jT >= (ptr_ref[k] - k)).astype(jnp.int32)
    onehotT = (bnsT == lax.broadcasted_iota(jnp.int32, (_B, _BS), 0)).astype(jnp.float32)
    jetT = jetT_ref[0]
    for w in range(1, _NW):
        jetT = jetT + jetT_ref[w]
    jet_nsT = lax.dot_general(jetT.astype(bf), onehotT.astype(bf),
                              (((1,), (0,)), ((), ())),
                              preferred_element_type=jnp.float32)
    jetcols = [jet_nsT[c:c + 1, :] for c in range(4)]
    jl = [sum(ab[r][c] * jetcols[c] for c in range(4)) for r in range(4)]

    E, px, py, pz = fml
    Ej, pxj, pyj, pzj = jl
    pt = jnp.sqrt(px * px + py * py + _EPS)
    ptj = jnp.sqrt(pxj * pxj + pyj * pyj + _EPS)
    pabs = jnp.sqrt(px * px + py * py + pz * pz + _EPS)
    pabsj = jnp.sqrt(pxj * pxj + pyj * pyj + pzj * pzj + _EPS)
    eta = 0.5 * jnp.log(jnp.maximum((pabs + pz) / jnp.maximum(pabs - pz, _EPS), _EPS))
    etaj = 0.5 * jnp.log(jnp.maximum((pabsj + pzj) / jnp.maximum(pabsj - pzj, _EPS), _EPS))
    phi = _atan2(py, px)
    phij = _atan2(pyj, pxj)
    two_pi = 2.0 * jnp.pi
    x = phi - phij + jnp.pi
    dphi = x - jnp.floor(x / two_pi) * two_pi - jnp.pi
    deta = eta - etaj
    dR = jnp.sqrt(deta * deta + dphi * dphi + _EPS)
    logpt = jnp.log(jnp.maximum(pt, _EPS))
    logE = jnp.log(jnp.maximum(jnp.abs(E), _EPS))
    logptrel = jnp.log(jnp.maximum(pt / jnp.maximum(ptj, _EPS), _EPS))
    logErel = jnp.log(jnp.maximum(jnp.abs(E) / jnp.maximum(jnp.abs(Ej), _EPS), _EPS))

    feats_o[:, 0:8] = Xs
    tagT = jnp.concatenate([logpt, logE, logptrel, logErel, deta, dphi, dR], axis=0)
    feats_o[:, 8:15] = lax.transpose(tagT, (1, 0))
    fml_o[...] = lax.transpose(jnp.concatenate(fml, axis=0), (1, 0))
    mats_o[...] = mats
    det_o[...] = det
    bns_o[...] = bnsT


def kernel(fourmomenta, scalars, global_tagging_features, batch, is_spurion,
           ptr, W1, b1, W2, b2):
    n_out = _N - _B
    nb = (n_out + _BS - 1) // _BS

    jet2 = _jet_sc(fourmomenta.reshape(-1), batch, is_spurion.astype(jnp.int32))
    jetT2 = jnp.transpose(jet2.reshape(_NW, _B, 4), (0, 2, 1))

    last = nb - 1
    X_all = jnp.concatenate([fourmomenta, scalars, global_tagging_features], axis=1)
    specA = pl.BlockSpec((_BS, 19), lambda i: (i, 0))
    specB = pl.BlockSpec((_BS, 19), lambda i: (jnp.minimum(i + 1, last), 0))

    feats, fml, mats, det, bns = pl.pallas_call(
        _fused_kernel,
        grid=(nb,),
        in_specs=[
            pl.BlockSpec(memory_space=pltpu.SMEM),
            specA, specB,
            pl.BlockSpec((_NW, 4, _B), lambda i: (0, 0, 0)),
            pl.BlockSpec((19, 32), lambda i: (0, 0)),
            pl.BlockSpec((1, 32), lambda i: (0, 0)),
            pl.BlockSpec((32, 16), lambda i: (0, 0)),
            pl.BlockSpec((1, 16), lambda i: (0, 0)),
        ],
        out_specs=[
            pl.BlockSpec((_BS, 15), lambda i: (i, 0)),
            pl.BlockSpec((_BS, 4), lambda i: (i, 0)),
            pl.BlockSpec((_BS, 16), lambda i: (i, 0)),
            pl.BlockSpec((1, _BS), lambda i: (0, i)),
            pl.BlockSpec((1, _BS), lambda i: (0, i)),
        ],
        out_shape=[
            jax.ShapeDtypeStruct((n_out, 15), jnp.float32),
            jax.ShapeDtypeStruct((n_out, 4), jnp.float32),
            jax.ShapeDtypeStruct((n_out, 16), jnp.float32),
            jax.ShapeDtypeStruct((1, n_out), jnp.float32),
            jax.ShapeDtypeStruct((1, n_out), jnp.int32),
        ],
    )(ptr, X_all, X_all, jetT2,
      W1, b1.reshape(1, -1), W2, b2.reshape(1, -1))

    ptr_ns = (ptr - jnp.arange(_B + 1, dtype=ptr.dtype)).astype(jnp.int32)
    return (feats, fml.reshape(-1, 4), mats.reshape(-1, 4, 4),
            det.reshape(-1), ptr_ns, bns.reshape(-1))

# --- scband reference (transcript-rebuilt; emitter-appended) ---
"""Pipeline reference for scband-tagger-wrapper-40587440947685 (READ-ONLY COPY).

The authoritative reference and input builder live on the scoring server;
editing this copy changes nothing except your own understanding.
"""

import jax, jax.numpy as jnp
import numpy as np

B = 16
N = 32768
D_SCALARS = 8
D_GLOBAL = 7
HIDDEN = 32
EPS = 1e-6


def _get_ptr_from_batch(batch, num_segments):
    counts = jnp.bincount(batch, length=num_segments)
    return jnp.concatenate([jnp.zeros((1,), dtype=jnp.int32), jnp.cumsum(counts).astype(jnp.int32)])


def _get_tagging_features(p, jet):
    E, px, py, pz = p[:, 0], p[:, 1], p[:, 2], p[:, 3]
    Ej, pxj, pyj, pzj = jet[:, 0], jet[:, 1], jet[:, 2], jet[:, 3]
    pt = jnp.sqrt(px ** 2 + py ** 2 + EPS)
    ptj = jnp.sqrt(pxj ** 2 + pyj ** 2 + EPS)
    pabs = jnp.sqrt(px ** 2 + py ** 2 + pz ** 2 + EPS)
    pabsj = jnp.sqrt(pxj ** 2 + pyj ** 2 + pzj ** 2 + EPS)
    eta = 0.5 * jnp.log(jnp.clip((pabs + pz) / jnp.clip(pabs - pz, EPS), EPS))
    etaj = 0.5 * jnp.log(jnp.clip((pabsj + pzj) / jnp.clip(pabsj - pzj, EPS), EPS))
    phi = jnp.arctan2(py, px)
    phij = jnp.arctan2(pyj, pxj)
    dphi = (phi - phij + jnp.pi) % (2.0 * jnp.pi) - jnp.pi
    deta = eta - etaj
    dR = jnp.sqrt(deta ** 2 + dphi ** 2 + EPS)
    logpt = jnp.log(jnp.clip(pt, EPS))
    logE = jnp.log(jnp.clip(jnp.abs(E), EPS))
    logptrel = jnp.log(jnp.clip(pt / jnp.clip(ptj, EPS), EPS))
    logErel = jnp.log(jnp.clip(jnp.abs(E) / jnp.clip(jnp.abs(Ej), EPS), EPS))
    return jnp.stack([logpt, logE, logptrel, logErel, deta, dphi, dR], axis=-1)


def setup_inputs(seed: int = 0):
    key = jax.random.key(seed)
    ks = jax.random.split(key, 8)
    fourmomenta = jax.random.normal(ks[0], (N, 4), dtype=jnp.float32)
    fourmomenta = fourmomenta.at[:, 0].set(jnp.abs(fourmomenta[:, 0]) + jnp.sqrt(jnp.sum(fourmomenta[:, 1:] ** 2, axis=-1)) + 0.1)
    scalars = jax.random.normal(ks[1], (N, D_SCALARS), dtype=jnp.float32)
    global_tagging_features = jax.random.normal(ks[2], (N, D_GLOBAL), dtype=jnp.float32)
    batch = jnp.sort(jax.random.randint(ks[3], (N,), 0, B, dtype=jnp.int32))
    ptr = _get_ptr_from_batch(batch, B)
    is_spurion = jnp.zeros((N,), dtype=bool).at[ptr[:-1]].set(True)
    in_dim = 4 + D_SCALARS + D_GLOBAL
    W1 = jax.random.normal(ks[4], (in_dim, HIDDEN), dtype=jnp.float32) * 0.1
    b1 = jnp.zeros((HIDDEN,), dtype=jnp.float32)
    W2 = jax.random.normal(ks[5], (HIDDEN, 16), dtype=jnp.float32) * 0.1
    b2 = jnp.zeros((16,), dtype=jnp.float32)
    return {'fourmomenta': fourmomenta, 'scalars': scalars, 'global_tagging_features': global_tagging_features, 'batch': batch, 'is_spurion': is_spurion, 'ptr': ptr, 'W1': W1, 'b1': b1, 'W2': W2, 'b2': b2}


def reference(fourmomenta, scalars, global_tagging_features, batch, is_spurion, ptr, W1, b1, W2, b2):
    # lframesnet (surrogate): MLP over [fourmomenta, scalars||global_feats] -> near-identity 4x4 local frames
    scal_ws = jnp.concatenate([scalars, global_tagging_features], axis=-1)
    h = jnp.tanh(jnp.concatenate([fourmomenta, scal_ws], axis=-1) @ W1 + b1)
    mats = ((h @ W2 + b2).reshape(-1, 4, 4)) * 0.1 + jnp.eye(4, dtype=jnp.float32)
    det = jnp.linalg.det(mats)
    # drop spurions
    keep = jnp.nonzero(~is_spurion, size=is_spurion.shape[0] - B)[0]
    fm_ns = jnp.take(fourmomenta, keep, axis=0)
    sc_ns = jnp.take(scalars, keep, axis=0)
    batch_ns = jnp.take(batch, keep, axis=0)
    mats_ns = jnp.take(mats, keep, axis=0)
    det_ns = jnp.take(det, keep, axis=0)
    ptr_ns = _get_ptr_from_batch(batch_ns, B)
    # TensorRepsTransform('1x1n'): local Lorentz frame transform of vectors
    fm_local = jnp.einsum('nij,nj->ni', mats_ns, fm_ns)
    # jet = per-event scatter-sum of fourmomenta, gathered back per particle
    jet = jax.ops.segment_sum(fm_ns, batch_ns, num_segments=B)
    jet_ns = jnp.take(jet, batch_ns, axis=0)
    jet_local = jnp.einsum('nij,nj->ni', mats_ns, jet_ns)
    tag = _get_tagging_features(fm_local, jet_local)
    feats = jnp.concatenate([sc_ns, tag], axis=-1).astype(scalars.dtype)
    return (feats, fm_local, mats_ns, det_ns, ptr_ns, batch_ns)

if __name__ == "__main__":
    import jax
    _d = setup_inputs()
    print(jax.jit(kernel)(*tuple(_d.values())))

</pallas_src>

<mosaic_0001>
#map = affine_map<(d0, d1) -> (0)>
#map1 = affine_map<(d0, d1) -> (0, 0)>
module attributes {stable_mosaic.version = 14 : i64} {
  func.func @_jet_sc_body(%arg0: i32, %arg1: i32, %arg2: memref<131072xf32, #tpu.memory_space<hbm>>, %arg3: memref<32768xi32, #tpu.memory_space<hbm>>, %arg4: memref<32768xi32, #tpu.memory_space<hbm>>, %arg5: memref<32x64xf32, #tpu.memory_space<hbm>>, %arg6: memref<4096xf32, #tpu.memory_space<vmem>>, %arg7: memref<1024xi32, #tpu.memory_space<vmem>>, %arg8: memref<1024xi32, #tpu.memory_space<vmem>>, %arg9: memref<1024xf32, #tpu.memory_space<vmem>>, %arg10: memref<64xf32, #tpu.memory_space<vmem>>) attributes {dimension_semantics = [#tpu.dimension_semantics<core_parallel>, #tpu.dimension_semantics<subcore_parallel>], iteration_bounds = array<i64: 2, 16>, scalar_prefetch = 0 : i64, scratch_operands = 5 : i64, tpu.core_type = #tpu.core_type<sc_vector_subcore>, window_params = [{transform_indices = #map}, {transform_indices = #map}, {transform_indices = #map}, {transform_indices = #map1}]} {
    %mul3A = arith.constant 2 : i32
    %mul3A_0 = arith.muli %arg1, %mul3A : i32
    %add3A = arith.addi %mul3A_0, %arg0 : i32
    %mul3A_1 = arith.constant 1024 : i32
    %mul3A_2 = arith.muli %add3A, %mul3A_1 : i32
    %mul3A_3 = arith.constant 4 : i32
    %mul3A_4 = arith.muli %mul3A_2, %mul3A_3 : i32
    "tpu.region"() ({
      %run_scoped3A = tpu.sem_alloc : memref<!tpu.dma_semaphore, #tpu.memory_space<semaphore_mem>>
      %dma_start3A = tpu.memref_slice %arg2[%mul3A_4] : memref<131072xf32, #tpu.memory_space<hbm>> -> memref<4096xf32, #tpu.memory_space<hbm>>
      %dma_start3A_345 = tpu.memref_slice %arg2[%mul3A_4] : memref<131072xf32, #tpu.memory_space<hbm>> -> memref<4096xf32, #tpu.memory_space<hbm>>
      tpu.enqueue_dma source(%dma_start3A_345 : memref<4096xf32, #tpu.memory_space<hbm>>) target(%arg6 : memref<4096xf32, #tpu.memory_space<vmem>>) target_semaphore(%run_scoped3A : memref<!tpu.dma_semaphore, #tpu.memory_space<semaphore_mem>>)
      %dma_wait3A = tpu.memref_slice %arg2[%mul3A_4] : memref<131072xf32, #tpu.memory_space<hbm>> -> memref<4096xf32, #tpu.memory_space<hbm>>
      %dma_wait3A_346 = tpu.memref_slice %arg2[%mul3A_4] : memref<131072xf32, #tpu.memory_space<hbm>> -> memref<4096xf32, #tpu.memory_space<hbm>>
      tpu.wait_dma2 semaphore(%run_scoped3A : memref<!tpu.dma_semaphore, #tpu.memory_space<semaphore_mem>>) src(%dma_wait3A_346 : memref<4096xf32, #tpu.memory_space<hbm>>) dst(%arg6 : memref<4096xf32, #tpu.memory_space<vmem>>)
      tpu.yield
    }) : () -> ()
    "tpu.region"() ({
      %run_scoped3A = tpu.sem_alloc : memref<!tpu.dma_semaphore, #tpu.memory_space<semaphore_mem>>
      %dma_start3A = tpu.memref_slice %arg3[%mul3A_2] : memref<32768xi32, #tpu.memory_space<hbm>> -> memref<1024xi32, #tpu.memory_space<hbm>>
      %dma_start3A_345 = tpu.memref_slice %arg3[%mul3A_2] : memref<32768xi32, #tpu.memory_space<hbm>> -> memref<1024xi32, #tpu.memory_space<hbm>>
      tpu.enqueue_dma source(%dma_start3A_345 : memref<1024xi32, #tpu.memory_space<hbm>>) target(%arg7 : memref<1024xi32, #tpu.memory_space<vmem>>) target_semaphore(%run_scoped3A : memref<!tpu.dma_semaphore, #tpu.memory_space<semaphore_mem>>)
      %dma_wait3A = tpu.memref_slice %arg3[%mul3A_2] : memref<32768xi32, #tpu.memory_space<hbm>> -> memref<1024xi32, #tpu.memory_space<hbm>>
      %dma_wait3A_346 = tpu.memref_slice %arg3[%mul3A_2] : memref<32768xi32, #tpu.memory_space<hbm>> -> memref<1024xi32, #tpu.memory_space<hbm>>
      tpu.wait_dma2 semaphore(%run_scoped3A : memref<!tpu.dma_semaphore, #tpu.memory_space<semaphore_mem>>) src(%dma_wait3A_346 : memref<1024xi32, #tpu.memory_space<hbm>>) dst(%arg7 : memref<1024xi32, #tpu.memory_space<vmem>>)
      tpu.yield
    }) : () -> ()
    "tpu.region"() ({
      %run_scoped3A = tpu.sem_alloc : memref<!tpu.dma_semaphore, #tpu.memory_space<semaphore_mem>>
      %dma_start3A = tpu.memref_slice %arg4[%mul3A_2] : memref<32768xi32, #tpu.memory_space<hbm>> -> memref<1024xi32, #tpu.memory_space<hbm>>
      %dma_start3A_345 = tpu.memref_slice %arg4[%mul3A_2] : memref<32768xi32, #tpu.memory_space<hbm>> -> memref<1024xi32, #tpu.memory_space<hbm>>
      tpu.enqueue_dma source(%dma_start3A_345 : memref<1024xi32, #tpu.memory_space<hbm>>) target(%arg8 : memref<1024xi32, #tpu.memory_space<vmem>>) target_semaphore(%run_scoped3A : memref<!tpu.dma_semaphore, #tpu.memory_space<semaphore_mem>>)
      %dma_wait3A = tpu.memref_slice %arg4[%mul3A_2] : memref<32768xi32, #tpu.memory_space<hbm>> -> memref<1024xi32, #tpu.memory_space<hbm>>
      %dma_wait3A_346 = tpu.memref_slice %arg4[%mul3A_2] : memref<32768xi32, #tpu.memory_space<hbm>> -> memref<1024xi32, #tpu.memory_space<hbm>>
      tpu.wait_dma2 semaphore(%run_scoped3A : memref<!tpu.dma_semaphore, #tpu.memory_space<semaphore_mem>>) src(%dma_wait3A_346 : memref<1024xi32, #tpu.memory_space<hbm>>) dst(%arg8 : memref<1024xi32, #tpu.memory_space<vmem>>)
      tpu.yield
    }) : () -> ()
    %broadcast_in_dim3A = arith.constant 0.000000e+00 : f32
    %broadcast_in_dim3A_5 = vector.broadcast %broadcast_in_dim3A : f32 to vector<16xf32>
    %swap3A = arith.constant 0 : index
    %swap3A_6 = tpu.vector_load %arg9[%swap3A] {strides = array<i32>} : memref<1024xf32, #tpu.memory_space<vmem>>, vector<16xf32>,
    tpu.vector_store %arg9[%swap3A], %broadcast_in_dim3A_5 {strides = array<i32>} : memref<1024xf32, #tpu.memory_space<vmem>>, vector<16xf32>,
    %swap3A_7 = arith.constant 16 : index
    %swap3A_8 = tpu.vector_load %arg9[%swap3A_7] {strides = array<i32>} : memref<1024xf32, #tpu.memory_space<vmem>>, vector<16xf32>,
    tpu.vector_store %arg9[%swap3A_7], %broadcast_in_dim3A_5 {strides = array<i32>} : memref<1024xf32, #tpu.memory_space<vmem>>, vector<16xf32>,
    %swap3A_9 = arith.constant 32 : index
    %swap3A_10 = tpu.vector_load %arg9[%swap3A_9] {strides = array<i32>} : memref<1024xf32, #tpu.memory_space<vmem>>, vector<16xf32>,
    tpu.vector_store %arg9[%swap3A_9], %broadcast_in_dim3A_5 {strides = array<i32>} : memref<1024xf32, #tpu.memory_space<vmem>>, vector<16xf32>,
    %swap3A_11 = arith.constant 48 : index
    %swap3A_12 = tpu.vector_load %arg9[%swap3A_11] {strides = array<i32>} : memref<1024xf32, #tpu.memory_space<vmem>>, vector<16xf32>,
    tpu.vector_store %arg9[%swap3A_11], %broadcast_in_dim3A_5 {strides = array<i32>} : memref<1024xf32, #tpu.memory_space<vmem>>, vector<16xf32>,
    %swap3A_13 = arith.constant 64 : index
    %swap3A_14 = tpu.vector_load %arg9[%swap3A_13] {strides = array<i32>} : memref<1024xf32, #tpu.memory_space<vmem>>, vector<16xf32>,
    tpu.vector_store %arg9[%swap3A_13], %broadcast_in_dim3A_5 {strides = array<i32>} : memref<1024xf32, #tpu.memory_space<vmem>>, vector<16xf32>,
    %swap3A_15 = arith.constant 80 : index
    %swap3A_16 = tpu.vector_load %arg9[%swap3A_15] {strides = array<i32>} : memref<1024xf32, #tpu.memory_space<vmem>>, vector<16xf32>,
    tpu.vector_store %arg9[%swap3A_15], %broadcast_in_dim3A_5 {strides = array<i32>} : memref<1024xf32, #tpu.memory_space<vmem>>, vector<16xf32>,
    %swap3A_17 = arith.constant 96 : index
    %swap3A_18 = tpu.vector_load %arg9[%swap3A_17] {strides = array<i32>} : memref<1024xf32, #tpu.memory_space<vmem>>, vector<16xf32>,
    tpu.vector_store %arg9[%swap3A_17], %broadcast_in_dim3A_5 {strides = array<i32>} : memref<1024xf32, #tpu.memory_space<vmem>>, vector<16xf32>,
    %swap3A_19 = arith.constant 112 : index
    %swap3A_20 = tpu.vector_load %arg9[%swap3A_19] {strides = array<i32>} : memref<1024xf32, #tpu.memory_space<vmem>>, vector<16xf32>,
    tpu.vector_store %arg9[%swap3A_19], %broadcast_in_dim3A_5 {strides = array<i32>} : memref<1024xf32, #tpu.memory_space<vmem>>, vector<16xf32>,
    %swap3A_21 = arith.constant 128 : index
    %swap3A_22 = tpu.vector_load %arg9[%swap3A_21] {strides = array<i32>} : memref<1024xf32, #tpu.memory_space<vmem>>, vector<16xf32>,
    tpu.vector_store %arg9[%swap3A_21], %broadcast_in_dim3A_5 {strides = array<i32>} : memref<1024xf32, #tpu.memory_space<vmem>>, vector<16xf32>,
    %swap3A_23 = arith.constant 144 : index
    %swap3A_24 = tpu.vector_load %arg9[%swap3A_23] {strides = array<i32>} : memref<1024xf32, #tpu.memory_space<vmem>>, vector<16xf32>,
    tpu.vector_store %arg9[%swap3A_23], %broadcast_in_dim3A_5 {strides = array<i32>} : memref<1024xf32, #tpu.memory_space<vmem>>, vector<16xf32>,
    %swap3A_25 = arith.constant 160 : index
    %swap3A_26 = tpu.vector_load %arg9[%swap3A_25] {strides = array<i32>} : memref<1024xf32, #tpu.memory_space<vmem>>, vector<16xf32>,
    tpu.vector_store %arg9[%swap3A_25], %broadcast_in_dim3A_5 {strides = array<i32>} : memref<1024xf32, #tpu.memory_space<vmem>>, vector<16xf32>,
    %swap3A_27 = arith.constant 176 : index
    %swap3A_28 = tpu.vector_load %arg9[%swap3A_27] {strides = array<i32>} : memref<1024xf32, #tpu.memory_space<vmem>>, vector<16xf32>,
    tpu.vector_store %arg9[%swap3A_27], %broadcast_in_dim3A_5 {strides = array<i32>} : memref<1024xf32, #tpu.memory_space<vmem>>, vector<16xf32>,
    %swap3A_29 = arith.constant 192 : index
    %swap3A_30 = tpu.vector_load %arg9[%swap3A_29] {strides = array<i32>} : memref<1024xf32, #tpu.memory_space<vmem>>, vector<16xf32>,
    tpu.vector_store %arg9[%swap3A_29], %broadcast_in_dim3A_5 {strides = array<i32>} : memref<1024xf32, #tpu.memory_space<vmem>>, vector<16xf32>,
    %swap3A_31 = arith.constant 208 : index
    %swap3A_32 = tpu.vector_load %arg9[%swap3A_31] {strides = array<i32>} : memref<1024xf32, #tpu.memory_space<vmem>>, vector<16xf32>,
    tpu.vector_store %arg9[%swap3A_31], %broadcast_in_dim3A_5 {strides = array<i32>} : memref<1024xf32, #tpu.memory_space<vmem>>, vector<16xf32>,
    %swap3A_33 = arith.constant 224 : index
    %swap3A_34 = tpu.vector_load %arg9[%swap3A_33] {strides = array<i32>} : memref<1024xf32, #tpu.memory_space<vmem>>, vector<16xf32>,
    tpu.vector_store %arg9[%swap3A_33], %broadcast_in_dim3A_5 {strides = array<i32>} : memref<1024xf32, #tpu.memory_space<vmem>>, vector<16xf32>,
    %swap3A_35 = arith.constant 240 : index
    %swap3A_36 = tpu.vector_load %arg9[%swap3A_35] {strides = array<i32>} : memref<1024xf32, #tpu.memory_space<vmem>>, vector<16xf32>,
    tpu.vector_store %arg9[%swap3A_35], %broadcast_in_dim3A_5 {strides = array<i32>} : memref<1024xf32, #tpu.memory_space<vmem>>, vector<16xf32>,
    %swap3A_37 = arith.constant 256 : index
    %swap3A_38 = tpu.vector_load %arg9[%swap3A_37] {strides = array<i32>} : memref<1024xf32, #tpu.memory_space<vmem>>, vector<16xf32>,
    tpu.vector_store %arg9[%swap3A_37], %broadcast_in_dim3A_5 {strides = array<i32>} : memref<1024xf32, #tpu.memory_space<vmem>>, vector<16xf32>,
    %swap3A_39 = arith.constant 272 : index
    %swap3A_40 = tpu.vector_load %arg9[%swap3A_39] {strides = array<i32>} : memref<1024xf32, #tpu.memory_space<vmem>>, vector<16xf32>,
    tpu.vector_store %arg9[%swap3A_39], %broadcast_in_dim3A_5 {strides = array<i32>} : memref<1024xf32, #tpu.memory_space<vmem>>, vector<16xf32>,
    %swap3A_41 = arith.constant 288 : index
    %swap3A_42 = tpu.vector_load %arg9[%swap3A_41] {strides = array<i32>} : memref<1024xf32, #tpu.memory_space<vmem>>, vector<16xf32>,
    tpu.vector_store %arg9[%swap3A_41], %broadcast_in_dim3A_5 {strides = array<i32>} : memref<1024xf32, #tpu.memory_space<vmem>>, vector<16xf32>,
    %swap3A_43 = arith.constant 304 : index
    %swap3A_44 = tpu.vector_load %arg9[%swap3A_43] {strides = array<i32>} : memref<1024xf32, #tpu.memory_space<vmem>>, vector<16xf32>,
    tpu.vector_store %arg9[%swap3A_43], %broadcast_in_dim3A_5 {strides = array<i32>} : memref<1024xf32, #tpu.memory_space<vmem>>, vector<16xf32>,
    %swap3A_45 = arith.constant 320 : index
    %swap3A_46 = tpu.vector_load %arg9[%swap3A_45] {strides = array<i32>} : memref<1024xf32, #tpu.memory_space<vmem>>, vector<16xf32>,
    tpu.vector_store %arg9[%swap3A_45], %broadcast_in_dim3A_5 {strides = array<i32>} : memref<1024xf32, #tpu.memory_space<vmem>>, vector<16xf32>,
    %swap3A_47 = arith.constant 336 : index
    %swap3A_48 = tpu.vector_load %arg9[%swap3A_47] {strides = array<i32>} : memref<1024xf32, #tpu.memory_space<vmem>>, vector<16xf32>,
    tpu.vector_store %arg9[%swap3A_47], %broadcast_in_dim3A_5 {strides = array<i32>} : memref<1024xf32, #tpu.memory_space<vmem>>, vector<16xf32>,
    %swap3A_49 = arith.constant 352 : index
    %swap3A_50 = tpu.vector_load %arg9[%swap3A_49] {strides = array<i32>} : memref<1024xf32, #tpu.memory_space<vmem>>, vector<16xf32>,
    tpu.vector_store %arg9[%swap3A_49], %broadcast_in_dim3A_5 {strides = array<i32>} : memref<1024xf32, #tpu.memory_space<vmem>>, vector<16xf32>,
    %swap3A_51 = arith.constant 368 : index
    %swap3A_52 = tpu.vector_load %arg9[%swap3A_51] {strides = array<i32>} : memref<1024xf32, #tpu.memory_space<vmem>>, vector<16xf32>,
    tpu.vector_store %arg9[%swap3A_51], %broadcast_in_dim3A_5 {strides = array<i32>} : memref<1024xf32, #tpu.memory_space<vmem>>, vector<16xf32>,
    %swap3A_53 = arith.constant 384 : index
    %swap3A_54 = tpu.vector_load %arg9[%swap3A_53] {strides = array<i32>} : memref<1024xf32, #tpu.memory_space<vmem>>, vector<16xf32>,
    tpu.vector_store %arg9[%swap3A_53], %broadcast_in_dim3A_5 {strides = array<i32>} : memref<1024xf32, #tpu.memory_space<vmem>>, vector<16xf32>,
    %swap3A_55 = arith.constant 400 : index
    %swap3A_56 = tpu.vector_load %arg9[%swap3A_55] {strides = array<i32>} : memref<1024xf32, #tpu.memory_space<vmem>>, vector<16xf32>,
    tpu.vector_store %arg9[%swap3A_55], %broadcast_in_dim3A_5 {strides = array<i32>} : memref<1024xf32, #tpu.memory_space<vmem>>, vector<16xf32>,
    %swap3A_57 = arith.constant 416 : index
    %swap3A_58 = tpu.vector_load %arg9[%swap3A_57] {strides = array<i32>} : memref<1024xf32, #tpu.memory_space<vmem>>, vector<16xf32>,
    tpu.vector_store %arg9[%swap3A_57], %broadcast_in_dim3A_5 {strides = array<i32>} : memref<1024xf32, #tpu.memory_space<vmem>>, vector<16xf32>,
    %swap3A_59 = arith.constant 432 : index
    %swap3A_60 = tpu.vector_load %arg9[%swap3A_59] {strides = array<i32>} : memref<1024xf32, #tpu.memory_space<vmem>>, vector<16xf32>,
    tpu.vector_store %arg9[%swap3A_59], %broadcast_in_dim3A_5 {strides = array<i32>} : memref<1024xf32, #tpu.memory_space<vmem>>, vector<16xf32>,
    %swap3A_61 = arith.constant 448 : index
    %swap3A_62 = tpu.vector_load %arg9[%swap3A_61] {strides = array<i32>} : memref<1024xf32, #tpu.memory_space<vmem>>, vector<16xf32>,
    tpu.vector_store %arg9[%swap3A_61], %broadcast_in_dim3A_5 {strides = array<i32>} : memref<1024xf32, #tpu.memory_space<vmem>>, vector<16xf32>,
    %swap3A_63 = arith.constant 464 : index
    %swap3A_64 = tpu.vector_load %arg9[%swap3A_63] {strides = array<i32>} : memref<1024xf32, #tpu.memory_space<vmem>>, vector<16xf32>,
    tpu.vector_store %arg9[%swap3A_63], %broadcast_in_dim3A_5 {strides = array<i32>} : memref<1024xf32, #tpu.memory_space<vmem>>, vector<16xf32>,
    %swap3A_65 = arith.constant 480 : index
    %swap3A_66 = tpu.vector_load %arg9[%swap3A_65] {strides = array<i32>} : memref<1024xf32, #tpu.memory_space<vmem>>, vector<16xf32>,
    tpu.vector_store %arg9[%swap3A_65], %broadcast_in_dim3A_5 {strides = array<i32>} : memref<1024xf32, #tpu.memory_space<vmem>>, vector<16xf32>,
    %swap3A_67 = arith.constant 496 : index
    %swap3A_68 = tpu.vector_load %arg9[%swap3A_67] {strides = array<i32>} : memref<1024xf32, #tpu.memory_space<vmem>>, vector<16xf32>,
    tpu.vector_store %arg9[%swap3A_67], %broadcast_in_dim3A_5 {strides = array<i32>} : memref<1024xf32, #tpu.memory_space<vmem>>, vector<16xf32>,
    %swap3A_69 = arith.constant 512 : index
    %swap3A_70 = tpu.vector_load %arg9[%swap3A_69] {strides = array<i32>} : memref<1024xf32, #tpu.memory_space<vmem>>, vector<16xf32>,
    tpu.vector_store %arg9[%swap3A_69], %broadcast_in_dim3A_5 {strides = array<i32>} : memref<1024xf32, #tpu.memory_space<vmem>>, vector<16xf32>,
    %swap3A_71 = arith.constant 528 : index
    %swap3A_72 = tpu.vector_load %arg9[%swap3A_71] {strides = array<i32>} : memref<1024xf32, #tpu.memory_space<vmem>>, vector<16xf32>,
    tpu.vector_store %arg9[%swap3A_71], %broadcast_in_dim3A_5 {strides = array<i32>} : memref<1024xf32, #tpu.memory_space<vmem>>, vector<16xf32>,
    %swap3A_73 = arith.constant 544 : index
    %swap3A_74 = tpu.vector_load %arg9[%swap3A_73] {strides = array<i32>} : memref<1024xf32, #tpu.memory_space<vmem>>, vector<16xf32>,
    tpu.vector_store %arg9[%swap3A_73], %broadcast_in_dim3A_5 {strides = array<i32>} : memref<1024xf32, #tpu.memory_space<vmem>>, vector<16xf32>,
    %swap3A_75 = arith.constant 560 : index
    %swap3A_76 = tpu.vector_load %arg9[%swap3A_75] {strides = array<i32>} : memref<1024xf32, #tpu.memory_space<vmem>>, vector<16xf32>,
    tpu.vector_store %arg9[%swap3A_75], %broadcast_in_dim3A_5 {strides = array<i32>} : memref<1024xf32, #tpu.memory_space<vmem>>, vector<16xf32>,
    %swap3A_77 = arith.constant 576 : index
    %swap3A_78 = tpu.vector_load %arg9[%swap3A_77] {strides = array<i32>} : memref<1024xf32, #tpu.memory_space<vmem>>, vector<16xf32>,
    tpu.vector_store %arg9[%swap3A_77], %broadcast_in_dim3A_5 {strides = array<i32>} : memref<1024xf32, #tpu.memory_space<vmem>>, vector<16xf32>,
    %swap3A_79 = arith.constant 592 : index
    %swap3A_80 = tpu.vector_load %arg9[%swap3A_79] {strides = array<i32>} : memref<1024xf32, #tpu.memory_space<vmem>>, vector<16xf32>,
    tpu.vector_store %arg9[%swap3A_79], %broadcast_in_dim3A_5 {strides = array<i32>} : memref<1024xf32, #tpu.memory_space<vmem>>, vector<16xf32>,
    %swap3A_81 = arith.constant 608 : index
    %swap3A_82 = tpu.vector_load %arg9[%swap3A_81] {strides = array<i32>} : memref<1024xf32, #tpu.memory_space<vmem>>, vector<16xf32>,
    tpu.vector_store %arg9[%swap3A_81], %broadcast_in_dim3A_5 {strides = array<i32>} : memref<1024xf32, #tpu.memory_space<vmem>>, vector<16xf32>,
    %swap3A_83 = arith.constant 624 : index
    %swap3A_84 = tpu.vector_load %arg9[%swap3A_83] {strides = array<i32>} : memref<1024xf32, #tpu.memory_space<vmem>>, vector<16xf32>,
    tpu.vector_store %arg9[%swap3A_83], %broadcast_in_dim3A_5 {strides = array<i32>} : memref<1024xf32, #tpu.memory_space<vmem>>, vector<16xf32>,
    %swap3A_85 = arith.constant 640 : index
    %swap3A_86 = tpu.vector_load %arg9[%swap3A_85] {strides = array<i32>} : memref<1024xf32, #tpu.memory_space<vmem>>, vector<16xf32>,
    tpu.vector_store %arg9[%swap3A_85], %broadcast_in_dim3A_5 {strides = array<i32>} : memref<1024xf32, #tpu.memory_space<vmem>>, vector<16xf32>,
    %swap3A_87 = arith.constant 656 : index
    %swap3A_88 = tpu.vector_load %arg9[%swap3A_87] {strides = array<i32>} : memref<1024xf32, #tpu.memory_space<vmem>>, vector<16xf32>,
    tpu.vector_store %arg9[%swap3A_87], %broadcast_in_dim3A_5 {strides = array<i32>} : memref<1024xf32, #tpu.memory_space<vmem>>, vector<16xf32>,
    %swap3A_89 = arith.constant 672 : index
    %swap3A_90 = tpu.vector_load %arg9[%swap3A_89] {strides = array<i32>} : memref<1024xf32, #tpu.memory_space<vmem>>, vector<16xf32>,
    tpu.vector_store %arg9[%swap3A_89], %broadcast_in_dim3A_5 {strides = array<i32>} : memref<1024xf32, #tpu.memory_space<vmem>>, vector<16xf32>,
    %swap3A_91 = arith.constant 688 : index
    %swap3A_92 = tpu.vector_load %arg9[%swap3A_91] {strides = array<i32>} : memref<1024xf32, #tpu.memory_space<vmem>>, vector<16xf32>,
    tpu.vector_store %arg9[%swap3A_91], %broadcast_in_dim3A_5 {strides = array<i32>} : memref<1024xf32, #tpu.memory_space<vmem>>, vector<16xf32>,
    %swap3A_93 = arith.constant 704 : index
    %swap3A_94 = tpu.vector_load %arg9[%swap3A_93] {strides = array<i32>} : memref<1024xf32, #tpu.memory_space<vmem>>, vector<16xf32>,
    tpu.vector_store %arg9[%swap3A_93], %broadcast_in_dim3A_5 {strides = array<i32>} : memref<1024xf32, #tpu.memory_space<vmem>>, vector<16xf32>,
    %swap3A_95 = arith.constant 720 : index
    %swap3A_96 = tpu.vector_load %arg9[%swap3A_95] {strides = array<i32>} : memref<1024xf32, #tpu.memory_space<vmem>>, vector<16xf32>,
    tpu.vector_store %arg9[%swap3A_95], %broadcast_in_dim3A_5 {strides = array<i32>} : memref<1024xf32, #tpu.memory_space<vmem>>, vector<16xf32>,
    %swap3A_97 = arith.constant 736 : index
    %swap3A_98 = tpu.vector_load %arg9[%swap3A_97] {strides = array<i32>} : memref<1024xf32, #tpu.memory_space<vmem>>, vector<16xf32>,
    tpu.vector_store %arg9[%swap3A_97], %broadcast_in_dim3A_5 {strides = array<i32>} : memref<1024xf32, #tpu.memory_space<vmem>>, vector<16xf32>,
    %swap3A_99 = arith.constant 752 : index
    %swap3A_100 = tpu.vector_load %arg9[%swap3A_99] {strides = array<i32>} : memref<1024xf32, #tpu.memory_space<vmem>>, vector<16xf32>,
    tpu.vector_store %arg9[%swap3A_99], %broadcast_in_dim3A_5 {strides = array<i32>} : memref<1024xf32, #tpu.memory_space<vmem>>, vector<16xf32>,
    %swap3A_101 = arith.constant 768 : index
    %swap3A_102 = tpu.vector_load %arg9[%swap3A_101] {strides = array<i32>} : memref<1024xf32, #tpu.memory_space<vmem>>, vector<16xf32>,
    tpu.vector_store %arg9[%swap3A_101], %broadcast_in_dim3A_5 {strides = array<i32>} : memref<1024xf32, #tpu.memory_space<vmem>>, vector<16xf32>,
    %swap3A_103 = arith.constant 784 : index
    %swap3A_104 = tpu.vector_load %arg9[%swap3A_103] {strides = array<i32>} : memref<1024xf32, #tpu.memory_space<vmem>>, vector<16xf32>,
    tpu.vector_store %arg9[%swap3A_103], %broadcast_in_dim3A_5 {strides = array<i32>} : memref<1024xf32, #tpu.memory_space<vmem>>, vector<16xf32>,
    %swap3A_105 = arith.constant 800 : index
    %swap3A_106 = tpu.vector_load %arg9[%swap3A_105] {strides = array<i32>} : memref<1024xf32, #tpu.memory_space<vmem>>, vector<16xf32>,
    tpu.vector_store %arg9[%swap3A_105], %broadcast_in_dim3A_5 {strides = array<i32>} : memref<1024xf32, #tpu.memory_space<vmem>>, vector<16xf32>,
    %swap3A_107 = arith.constant 816 : index
    %swap3A_108 = tpu.vector_load %arg9[%swap3A_107] {strides = array<i32>} : memref<1024xf32, #tpu.memory_space<vmem>>, vector<16xf32>,
    tpu.vector_store %arg9[%swap3A_107], %broadcast_in_dim3A_5 {strides = array<i32>} : memref<1024xf32, #tpu.memory_space<vmem>>, vector<16xf32>,
    %swap3A_109 = arith.constant 832 : index
    %swap3A_110 = tpu.vector_load %arg9[%swap3A_109] {strides = array<i32>} : memref<1024xf32, #tpu.memory_space<vmem>>, vector<16xf32>,
    tpu.vector_store %arg9[%swap3A_109], %broadcast_in_dim3A_5 {strides = array<i32>} : memref<1024xf32, #tpu.memory_space<vmem>>, vector<16xf32>,
    %swap3A_111 = arith.constant 848 : index
    %swap3A_112 = tpu.vector_load %arg9[%swap3A_111] {strides = array<i32>} : memref<1024xf32, #tpu.memory_space<vmem>>, vector<16xf32>,
    tpu.vector_store %arg9[%swap3A_111], %broadcast_in_dim3A_5 {strides = array<i32>} : memref<1024xf32, #tpu.memory_space<vmem>>, vector<16xf32>,
    %swap3A_113 = arith.constant 864 : index
    %swap3A_114 = tpu.vector_load %arg9[%swap3A_113] {strides = array<i32>} : memref<1024xf32, #tpu.memory_space<vmem>>, vector<16xf32>,
    tpu.vector_store %arg9[%swap3A_113], %broadcast_in_dim3A_5 {strides = array<i32>} : memref<1024xf32, #tpu.memory_space<vmem>>, vector<16xf32>,
    %swap3A_115 = arith.constant 880 : index
    %swap3A_116 = tpu.vector_load %arg9[%swap3A_115] {strides = array<i32>} : memref<1024xf32, #tpu.memory_space<vmem>>, vector<16xf32>,
    tpu.vector_store %arg9[%swap3A_115], %broadcast_in_dim3A_5 {strides = array<i32>} : memref<1024xf32, #tpu.memory_space<vmem>>, vector<16xf32>,
    %swap3A_117 = arith.constant 896 : index
    %swap3A_118 = tpu.vector_load %arg9[%swap3A_117] {strides = array<i32>} : memref<1024xf32, #tpu.memory_space<vmem>>, vector<16xf32>,
    tpu.vector_store %arg9[%swap3A_117], %broadcast_in_dim3A_5 {strides = array<i32>} : memref<1024xf32, #tpu.memory_space<vmem>>, vector<16xf32>,
    %swap3A_119 = arith.constant 912 : index
    %swap3A_120 = tpu.vector_load %arg9[%swap3A_119] {strides = array<i32>} : memref<1024xf32, #tpu.memory_space<vmem>>, vector<16xf32>,
    tpu.vector_store %arg9[%swap3A_119], %broadcast_in_dim3A_5 {strides = array<i32>} : memref<1024xf32, #tpu.memory_space<vmem>>, vector<16xf32>,
    %swap3A_121 = arith.constant 928 : index
    %swap3A_122 = tpu.vector_load %arg9[%swap3A_121] {strides = array<i32>} : memref<1024xf32, #tpu.memory_space<vmem>>, vector<16xf32>,
    tpu.vector_store %arg9[%swap3A_121], %broadcast_in_dim3A_5 {strides = array<i32>} : memref<1024xf32, #tpu.memory_space<vmem>>, vector<16xf32>,
    %swap3A_123 = arith.constant 944 : index
    %swap3A_124 = tpu.vector_load %arg9[%swap3A_123] {strides = array<i32>} : memref<1024xf32, #tpu.memory_space<vmem>>, vector<16xf32>,
    tpu.vector_store %arg9[%swap3A_123], %broadcast_in_dim3A_5 {strides = array<i32>} : memref<1024xf32, #tpu.memory_space<vmem>>, vector<16xf32>,
    %swap3A_125 = arith.constant 960 : index
    %swap3A_126 = tpu.vector_load %arg9[%swap3A_125] {strides = array<i32>} : memref<1024xf32, #tpu.memory_space<vmem>>, vector<16xf32>,
    tpu.vector_store %arg9[%swap3A_125], %broadcast_in_dim3A_5 {strides = array<i32>} : memref<1024xf32, #tpu.memory_space<vmem>>, vector<16xf32>,
    %swap3A_127 = arith.constant 976 : index
    %swap3A_128 = tpu.vector_load %arg9[%swap3A_127] {strides = array<i32>} : memref<1024xf32, #tpu.memory_space<vmem>>, vector<16xf32>,
    tpu.vector_store %arg9[%swap3A_127], %broadcast_in_dim3A_5 {strides = array<i32>} : memref<1024xf32, #tpu.memory_space<vmem>>, vector<16xf32>,
    %swap3A_129 = arith.constant 992 : index
    %swap3A_130 = tpu.vector_load %arg9[%swap3A_129] {strides = array<i32>} : memref<1024xf32, #tpu.memory_space<vmem>>, vector<16xf32>,
    tpu.vector_store %arg9[%swap3A_129], %broadcast_in_dim3A_5 {strides = array<i32>} : memref<1024xf32, #tpu.memory_space<vmem>>, vector<16xf32>,
    %swap3A_131 = arith.constant 1008 : index
    %swap3A_132 = tpu.vector_load %arg9[%swap3A_131] {strides = array<i32>} : memref<1024xf32, #tpu.memory_space<vmem>>, vector<16xf32>,
    tpu.vector_store %arg9[%swap3A_131], %broadcast_in_dim3A_5 {strides = array<i32>} : memref<1024xf32, #tpu.memory_space<vmem>>, vector<16xf32>,
    %iota3A = tpu.iota {dimensions = array<i32: 0>} : vector<16xi32>
    %scan3A = arith.constant 0 : i32
    %scan3A_133 = arith.constant 0 : i32
    %scan3A_134 = arith.constant 64 : i32
    %scan3A_135 = arith.addi %scan3A_133, %scan3A_134 : i32
    %scan3A_136 = arith.constant 1 : i32
    scf.for %scan3A_345 = %scan3A_133 to %scan3A_135 step %scan3A_136  : i32 {
      %mul3A_346 = arith.constant 16 : i32
      %mul3A_347 = arith.muli %scan3A_345, %mul3A_346 : i32
      %multiple_of3A = tpu.assume_multiple %mul3A_347, 16 : i32
      %get3A_348 = arith.index_cast %multiple_of3A : i32 to index
      %get3A_349 = tpu.vector_load %arg7[%get3A_348] {strides = array<i32>} : memref<1024xi32, #tpu.memory_space<vmem>>, vector<16xi32>,
      %get3A_350 = arith.index_cast %multiple_of3A : i32 to index
      %get3A_351 = tpu.vector_load %arg8[%get3A_350] {strides = array<i32>} : memref<1024xi32, #tpu.memory_space<vmem>>, vector<16xi32>,
      %eq3A = arith.constant 0 : i32
      %eq3A_352 = vector.broadcast %eq3A : i32 to vector<16xi32>
      %eq3A_353 = arith.cmpi eq, %get3A_351, %eq3A_352 : vector<16xi32>
      %add3A_354 = vector.broadcast %multiple_of3A : i32 to vector<16xi32>
      %add3A_355 = arith.addi %add3A_354, %iota3A : vector<16xi32>
      %mul3A_356 = arith.constant 64 : i32
      %mul3A_357 = vector.broadcast %mul3A_356 : i32 to vector<16xi32>
      %mul3A_358 = arith.muli %iota3A, %mul3A_357 : vector<16xi32>
      %mul3A_359 = arith.constant 4 : i32
      %mul3A_360 = vector.broadcast %mul3A_359 : i32 to vector<16xi32>
      %mul3A_361 = arith.muli %get3A_349, %mul3A_360 : vector<16xi32>
      %add3A_362 = arith.addi %mul3A_358, %mul3A_361 : vector<16xi32>
      %mul3A_363 = arith.constant 4 : i32
      %mul3A_364 = vector.broadcast %mul3A_363 : i32 to vector<16xi32>
      %mul3A_365 = arith.muli %add3A_355, %mul3A_364 : vector<16xi32>
      %add3A_366 = arith.constant 0 : i32
      %add3A_367 = vector.broadcast %add3A_366 : i32 to vector<16xi32>
      %add3A_368 = arith.addi %mul3A_365, %add3A_367 : vector<16xi32>
      %gather3A = tpu.vector_load_idx %arg6[%add3A_368] : memref<4096xf32, #tpu.memory_space<vmem>>[vector<16xi32>], vector<16xf32>,
      %add3A_369 = arith.constant 0 : i32
      %add3A_370 = vector.broadcast %add3A_369 : i32 to vector<16xi32>
      %add3A_371 = arith.addi %add3A_362, %add3A_370 : vector<16xi32>
      tpu.vector_store_idx %arg9[%add3A_371], %gather3A masked %eq3A_353 {add = true} : memref<1024xf32, #tpu.memory_space<vmem>>[vector<16xi32>], vector<16xf32>, vector<16xi1>
      %mul3A_372 = arith.constant 4 : i32
      %mul3A_373 = vector.broadcast %mul3A_372 : i32 to vector<16xi32>
      %mul3A_374 = arith.muli %add3A_355, %mul3A_373 : vector<16xi32>
      %add3A_375 = arith.constant 1 : i32
      %add3A_376 = vector.broadcast %add3A_375 : i32 to vector<16xi32>
      %add3A_377 = arith.addi %mul3A_374, %add3A_376 : vector<16xi32>
      %gather3A_378 = tpu.vector_load_idx %arg6[%add3A_377] : memref<4096xf32, #tpu.memory_space<vmem>>[vector<16xi32>], vector<16xf32>,
      %add3A_379 = arith.constant 1 : i32
      %add3A_380 = vector.broadcast %add3A_379 : i32 to vector<16xi32>
      %add3A_381 = arith.addi %add3A_362, %add3A_380 : vector<16xi32>
      tpu.vector_store_idx %arg9[%add3A_381], %gather3A_378 masked %eq3A_353 {add = true} : memref<1024xf32, #tpu.memory_space<vmem>>[vector<16xi32>], vector<16xf32>, vector<16xi1>
      %mul3A_382 = arith.constant 4 : i32
      %mul3A_383 = vector.broadcast %mul3A_382 : i32 to vector<16xi32>
      %mul3A_384 = arith.muli %add3A_355, %mul3A_383 : vector<16xi32>
      %add3A_385 = arith.constant 2 : i32
      %add3A_386 = vector.broadcast %add3A_385 : i32 to vector<16xi32>
      %add3A_387 = arith.addi %mul3A_384, %add3A_386 : vector<16xi32>
      %gather3A_388 = tpu.vector_load_idx %arg6[%add3A_387] : memref<4096xf32, #tpu.memory_space<vmem>>[vector<16xi32>], vector<16xf32>,
      %add3A_389 = arith.constant 2 : i32
      %add3A_390 = vector.broadcast %add3A_389 : i32 to vector<16xi32>
      %add3A_391 = arith.addi %add3A_362, %add3A_390 : vector<16xi32>
      tpu.vector_store_idx %arg9[%add3A_391], %gather3A_388 masked %eq3A_353 {add = true} : memref<1024xf32, #tpu.memory_space<vmem>>[vector<16xi32>], vector<16xf32>, vector<16xi1>
      %mul3A_392 = arith.constant 4 : i32
      %mul3A_393 = vector.broadcast %mul3A_392 : i32 to vector<16xi32>
      %mul3A_394 = arith.muli %add3A_355, %mul3A_393 : vector<16xi32>
      %add3A_395 = arith.constant 3 : i32
      %add3A_396 = vector.broadcast %add3A_395 : i32 to vector<16xi32>
      %add3A_397 = arith.addi %mul3A_394, %add3A_396 : vector<16xi32>
      %gather3A_398 = tpu.vector_load_idx %arg6[%add3A_397] : memref<4096xf32, #tpu.memory_space<vmem>>[vector<16xi32>], vector<16xf32>,
      %add3A_399 = arith.constant 3 : i32
      %add3A_400 = vector.broadcast %add3A_399 : i32 to vector<16xi32>
      %add3A_401 = arith.addi %add3A_362, %add3A_400 : vector<16xi32>
      tpu.vector_store_idx %arg9[%add3A_401], %gather3A_398 masked %eq3A_353 {add = true} : memref<1024xf32, #tpu.memory_space<vmem>>[vector<16xi32>], vector<16xf32>, vector<16xi1>
    }
    %scan3A_137 = arith.constant 64 : i32
    %broadcast_in_dim3A_138 = arith.constant 0.000000e+00 : f32
    %broadcast_in_dim3A_139 = vector.broadcast %broadcast_in_dim3A_138 : f32 to vector<16xf32>
    %get3A = arith.constant 0 : index
    %get3A_140 = tpu.vector_load %arg9[%get3A] {strides = array<i32>} : memref<1024xf32, #tpu.memory_space<vmem>>, vector<16xf32>,
    %add3A_141 = arith.addf %broadcast_in_dim3A_139, %get3A_140 : vector<16xf32>
    %get3A_142 = arith.constant 64 : index
    %get3A_143 = tpu.vector_load %arg9[%get3A_142] {strides = array<i32>} : memref<1024xf32, #tpu.memory_space<vmem>>, vector<16xf32>,
    %add3A_144 = arith.addf %add3A_141, %get3A_143 : vector<16xf32>
    %get3A_145 = arith.constant 128 : index
    %get3A_146 = tpu.vector_load %arg9[%get3A_145] {strides = array<i32>} : memref<1024xf32, #tpu.memory_space<vmem>>, vector<16xf32>,
    %add3A_147 = arith.addf %add3A_144, %get3A_146 : vector<16xf32>
    %get3A_148 = arith.constant 192 : index
    %get3A_149 = tpu.vector_load %arg9[%get3A_148] {strides = array<i32>} : memref<1024xf32, #tpu.memory_space<vmem>>, vector<16xf32>,
    %add3A_150 = arith.addf %add3A_147, %get3A_149 : vector<16xf32>
    %get3A_151 = arith.constant 256 : index
    %get3A_152 = tpu.vector_load %arg9[%get3A_151] {strides = array<i32>} : memref<1024xf32, #tpu.memory_space<vmem>>, vector<16xf32>,
    %add3A_153 = arith.addf %add3A_150, %get3A_152 : vector<16xf32>
    %get3A_154 = arith.constant 320 : index
    %get3A_155 = tpu.vector_load %arg9[%get3A_154] {strides = array<i32>} : memref<1024xf32, #tpu.memory_space<vmem>>, vector<16xf32>,
    %add3A_156 = arith.addf %add3A_153, %get3A_155 : vector<16xf32>
    %get3A_157 = arith.constant 384 : index
    %get3A_158 = tpu.vector_load %arg9[%get3A_157] {strides = array<i32>} : memref<1024xf32, #tpu.memory_space<vmem>>, vector<16xf32>,
    %add3A_159 = arith.addf %add3A_156, %get3A_158 : vector<16xf32>
    %get3A_160 = arith.constant 448 : index
    %get3A_161 = tpu.vector_load %arg9[%get3A_160] {strides = array<i32>} : memref<1024xf32, #tpu.memory_space<vmem>>, vector<16xf32>,
    %add3A_162 = arith.addf %add3A_159, %get3A_161 : vector<16xf32>
    %get3A_163 = arith.constant 512 : index
    %get3A_164 = tpu.vector_load %arg9[%get3A_163] {strides = array<i32>} : memref<1024xf32, #tpu.memory_space<vmem>>, vector<16xf32>,
    %add3A_165 = arith.addf %add3A_162, %get3A_164 : vector<16xf32>
    %get3A_166 = arith.constant 576 : index
    %get3A_167 = tpu.vector_load %arg9[%get3A_166] {strides = array<i32>} : memref<1024xf32, #tpu.memory_space<vmem>>, vector<16xf32>,
    %add3A_168 = arith.addf %add3A_165, %get3A_167 : vector<16xf32>
    %get3A_169 = arith.constant 640 : index
    %get3A_170 = tpu.vector_load %arg9[%get3A_169] {strides = array<i32>} : memref<1024xf32, #tpu.memory_space<vmem>>, vector<16xf32>,
    %add3A_171 = arith.addf %add3A_168, %get3A_170 : vector<16xf32>
    %get3A_172 = arith.constant 704 : index
    %get3A_173 = tpu.vector_load %arg9[%get3A_172] {strides = array<i32>} : memref<1024xf32, #tpu.memory_space<vmem>>, vector<16xf32>,
    %add3A_174 = arith.addf %add3A_171, %get3A_173 : vector<16xf32>
    %get3A_175 = arith.constant 768 : index
    %get3A_176 = tpu.vector_load %arg9[%get3A_175] {strides = array<i32>} : memref<1024xf32, #tpu.memory_space<vmem>>, vector<16xf32>,
    %add3A_177 = arith.addf %add3A_174, %get3A_176 : vector<16xf32>
    %get3A_178 = arith.constant 832 : index
    %get3A_179 = tpu.vector_load %arg9[%get3A_178] {strides = array<i32>} : memref<1024xf32, #tpu.memory_space<vmem>>, vector<16xf32>,
    %add3A_180 = arith.addf %add3A_177, %get3A_179 : vector<16xf32>
    %get3A_181 = arith.constant 896 : index
    %get3A_182 = tpu.vector_load %arg9[%get3A_181] {strides = array<i32>} : memref<1024xf32, #tpu.memory_space<vmem>>, vector<16xf32>,
    %add3A_183 = arith.addf %add3A_180, %get3A_182 : vector<16xf32>
    %get3A_184 = arith.constant 960 : index
    %get3A_185 = tpu.vector_load %arg9[%get3A_184] {strides = array<i32>} : memref<1024xf32, #tpu.memory_space<vmem>>, vector<16xf32>,
    %add3A_186 = arith.addf %add3A_183, %get3A_185 : vector<16xf32>
    %swap3A_187 = arith.constant 0 : index
    %swap3A_188 = tpu.vector_load %arg10[%swap3A_187] {strides = array<i32>} : memref<64xf32, #tpu.memory_space<vmem>>, vector<16xf32>,
    tpu.vector_store %arg10[%swap3A_187], %add3A_186 {strides = array<i32>} : memref<64xf32, #tpu.memory_space<vmem>>, vector<16xf32>,
    %broadcast_in_dim3A_189 = arith.constant 0.000000e+00 : f32
    %broadcast_in_dim3A_190 = vector.broadcast %broadcast_in_dim3A_189 : f32 to vector<16xf32>
    %get3A_191 = arith.constant 16 : index
    %get3A_192 = tpu.vector_load %arg9[%get3A_191] {strides = array<i32>} : memref<1024xf32, #tpu.memory_space<vmem>>, vector<16xf32>,
    %add3A_193 = arith.addf %broadcast_in_dim3A_190, %get3A_192 : vector<16xf32>
    %get3A_194 = arith.constant 80 : index
    %get3A_195 = tpu.vector_load %arg9[%get3A_194] {strides = array<i32>} : memref<1024xf32, #tpu.memory_space<vmem>>, vector<16xf32>,
    %add3A_196 = arith.addf %add3A_193, %get3A_195 : vector<16xf32>
    %get3A_197 = arith.constant 144 : index
    %get3A_198 = tpu.vector_load %arg9[%get3A_197] {strides = array<i32>} : memref<1024xf32, #tpu.memory_space<vmem>>, vector<16xf32>,
    %add3A_199 = arith.addf %add3A_196, %get3A_198 : vector<16xf32>
    %get3A_200 = arith.constant 208 : index
    %get3A_201 = tpu.vector_load %arg9[%get3A_200] {strides = array<i32>} : memref<1024xf32, #tpu.memory_space<vmem>>, vector<16xf32>,
    %add3A_202 = arith.addf %add3A_199, %get3A_201 : vector<16xf32>
    %get3A_203 = arith.constant 272 : index
    %get3A_204 = tpu.vector_load %arg9[%get3A_203] {strides = array<i32>} : memref<1024xf32, #tpu.memory_space<vmem>>, vector<16xf32>,
    %add3A_205 = arith.addf %add3A_202, %get3A_204 : vector<16xf32>
    %get3A_206 = arith.constant 336 : index
    %get3A_207 = tpu.vector_load %arg9[%get3A_206] {strides = array<i32>} : memref<1024xf32, #tpu.memory_space<vmem>>, vector<16xf32>,
    %add3A_208 = arith.addf %add3A_205, %get3A_207 : vector<16xf32>
    %get3A_209 = arith.constant 400 : index
    %get3A_210 = tpu.vector_load %arg9[%get3A_209] {strides = array<i32>} : memref<1024xf32, #tpu.memory_space<vmem>>, vector<16xf32>,
    %add3A_211 = arith.addf %add3A_208, %get3A_210 : vector<16xf32>
    %get3A_212 = arith.constant 464 : index
    %get3A_213 = tpu.vector_load %arg9[%get3A_212] {strides = array<i32>} : memref<1024xf32, #tpu.memory_space<vmem>>, vector<16xf32>,
    %add3A_214 = arith.addf %add3A_211, %get3A_213 : vector<16xf32>
    %get3A_215 = arith.constant 528 : index
    %get3A_216 = tpu.vector_load %arg9[%get3A_215] {strides = array<i32>} : memref<1024xf32, #tpu.memory_space<vmem>>, vector<16xf32>,
    %add3A_217 = arith.addf %add3A_214, %get3A_216 : vector<16xf32>
    %get3A_218 = arith.constant 592 : index
    %get3A_219 = tpu.vector_load %arg9[%get3A_218] {strides = array<i32>} : memref<1024xf32, #tpu.memory_space<vmem>>, vector<16xf32>,
    %add3A_220 = arith.addf %add3A_217, %get3A_219 : vector<16xf32>
    %get3A_221 = arith.constant 656 : index
    %get3A_222 = tpu.vector_load %arg9[%get3A_221] {strides = array<i32>} : memref<1024xf32, #tpu.memory_space<vmem>>, vector<16xf32>,
    %add3A_223 = arith.addf %add3A_220, %get3A_222 : vector<16xf32>
    %get3A_224 = arith.constant 720 : index
    %get3A_225 = tpu.vector_load %arg9[%get3A_224] {strides = array<i32>} : memref<1024xf32, #tpu.memory_space<vmem>>, vector<16xf32>,
    %add3A_226 = arith.addf %add3A_223, %get3A_225 : vector<16xf32>
    %get3A_227 = arith.constant 784 : index
    %get3A_228 = tpu.vector_load %arg9[%get3A_227] {strides = array<i32>} : memref<1024xf32, #tpu.memory_space<vmem>>, vector<16xf32>,
    %add3A_229 = arith.addf %add3A_226, %get3A_228 : vector<16xf32>
    %get3A_230 = arith.constant 848 : index
    %get3A_231 = tpu.vector_load %arg9[%get3A_230] {strides = array<i32>} : memref<1024xf32, #tpu.memory_space<vmem>>, vector<16xf32>,
    %add3A_232 = arith.addf %add3A_229, %get3A_231 : vector<16xf32>
    %get3A_233 = arith.constant 912 : index
    %get3A_234 = tpu.vector_load %arg9[%get3A_233] {strides = array<i32>} : memref<1024xf32, #tpu.memory_space<vmem>>, vector<16xf32>,
    %add3A_235 = arith.addf %add3A_232, %get3A_234 : vector<16xf32>
    %get3A_236 = arith.constant 976 : index
    %get3A_237 = tpu.vector_load %arg9[%get3A_236] {strides = array<i32>} : memref<1024xf32, #tpu.memory_space<vmem>>, vector<16xf32>,
    %add3A_238 = arith.addf %add3A_235, %get3A_237 : vector<16xf32>
    %swap3A_239 = arith.constant 16 : index
    %swap3A_240 = tpu.vector_load %arg10[%swap3A_239] {strides = array<i32>} : memref<64xf32, #tpu.memory_space<vmem>>, vector<16xf32>,
    tpu.vector_store %arg10[%swap3A_239], %add3A_238 {strides = array<i32>} : memref<64xf32, #tpu.memory_space<vmem>>, vector<16xf32>,
    %broadcast_in_dim3A_241 = arith.constant 0.000000e+00 : f32
    %broadcast_in_dim3A_242 = vector.broadcast %broadcast_in_dim3A_241 : f32 to vector<16xf32>
    %get3A_243 = arith.constant 32 : index
    %get3A_244 = tpu.vector_load %arg9[%get3A_243] {strides = array<i32>} : memref<1024xf32, #tpu.memory_space<vmem>>, vector<16xf32>,
    %add3A_245 = arith.addf %broadcast_in_dim3A_242, %get3A_244 : vector<16xf32>
    %get3A_246 = arith.constant 96 : index
    %get3A_247 = tpu.vector_load %arg9[%get3A_246] {strides = array<i32>} : memref<1024xf32, #tpu.memory_space<vmem>>, vector<16xf32>,
    %add3A_248 = arith.addf %add3A_245, %get3A_247 : vector<16xf32>
    %get3A_249 = arith.constant 160 : index
    %get3A_250 = tpu.vector_load %arg9[%get3A_249] {strides = array<i32>} : memref<1024xf32, #tpu.memory_space<vmem>>, vector<16xf32>,
    %add3A_251 = arith.addf %add3A_248, %get3A_250 : vector<16xf32>
    %get3A_252 = arith.constant 224 : index
    %get3A_253 = tpu.vector_load %arg9[%get3A_252] {strides = array<i32>} : memref<1024xf32, #tpu.memory_space<vmem>>, vector<16xf32>,
    %add3A_254 = arith.addf %add3A_251, %get3A_253 : vector<16xf32>
    %get3A_255 = arith.constant 288 : index
    %get3A_256 = tpu.vector_load %arg9[%get3A_255] {strides = array<i32>} : memref<1024xf32, #tpu.memory_space<vmem>>, vector<16xf32>,
    %add3A_257 = arith.addf %add3A_254, %get3A_256 : vector<16xf32>
    %get3A_258 = arith.constant 352 : index
    %get3A_259 = tpu.vector_load %arg9[%get3A_258] {strides = array<i32>} : memref<1024xf32, #tpu.memory_space<vmem>>, vector<16xf32>,
    %add3A_260 = arith.addf %add3A_257, %get3A_259 : vector<16xf32>
    %get3A_261 = arith.constant 416 : index
    %get3A_262 = tpu.vector_load %arg9[%get3A_261] {strides = array<i32>} : memref<1024xf32, #tpu.memory_space<vmem>>, vector<16xf32>,
    %add3A_263 = arith.addf %add3A_260, %get3A_262 : vector<16xf32>
    %get3A_264 = arith.constant 480 : index
    %get3A_265 = tpu.vector_load %arg9[%get3A_264] {strides = array<i32>} : memref<1024xf32, #tpu.memory_space<vmem>>, vector<16xf32>,
    %add3A_266 = arith.addf %add3A_263, %get3A_265 : vector<16xf32>
    %get3A_267 = arith.constant 544 : index
    %get3A_268 = tpu.vector_load %arg9[%get3A_267] {strides = array<i32>} : memref<1024xf32, #tpu.memory_space<vmem>>, vector<16xf32>,
    %add3A_269 = arith.addf %add3A_266, %get3A_268 : vector<16xf32>
    %get3A_270 = arith.constant 608 : index
    %get3A_271 = tpu.vector_load %arg9[%get3A_270] {strides = array<i32>} : memref<1024xf32, #tpu.memory_space<vmem>>, vector<16xf32>,
    %add3A_272 = arith.addf %add3A_269, %get3A_271 : vector<16xf32>
    %get3A_273 = arith.constant 672 : index
    %get3A_274 = tpu.vector_load %arg9[%get3A_273] {strides = array<i32>} : memref<1024xf32, #tpu.memory_space<vmem>>, vector<16xf32>,
    %add3A_275 = arith.addf %add3A_272, %get3A_274 : vector<16xf32>
    %get3A_276 = arith.constant 736 : index
    %get3A_277 = tpu.vector_load %arg9[%get3A_276] {strides = array<i32>} : memref<1024xf32, #tpu.memory_space<vmem>>, vector<16xf32>,
    %add3A_278 = arith.addf %add3A_275, %get3A_277 : vector<16xf32>
    %get3A_279 = arith.constant 800 : index
    %get3A_280 = tpu.vector_load %arg9[%get3A_279] {strides = array<i32>} : memref<1024xf32, #tpu.memory_space<vmem>>, vector<16xf32>,
    %add3A_281 = arith.addf %add3A_278, %get3A_280 : vector<16xf32>
    %get3A_282 = arith.constant 864 : index
    %get3A_283 = tpu.vector_load %arg9[%get3A_282] {strides = array<i32>} : memref<1024xf32, #tpu.memory_space<vmem>>, vector<16xf32>,
    %add3A_284 = arith.addf %add3A_281, %get3A_283 : vector<16xf32>
    %get3A_285 = arith.constant 928 : index
    %get3A_286 = tpu.vector_load %arg9[%get3A_285] {strides = array<i32>} : memref<1024xf32, #tpu.memory_space<vmem>>, vector<16xf32>,
    %add3A_287 = arith.addf %add3A_284, %get3A_286 : vector<16xf32>
    %get3A_288 = arith.constant 992 : index
    %get3A_289 = tpu.vector_load %arg9[%get3A_288] {strides = array<i32>} : memref<1024xf32, #tpu.memory_space<vmem>>, vector<16xf32>,
    %add3A_290 = arith.addf %add3A_287, %get3A_289 : vector<16xf32>
    %swap3A_291 = arith.constant 32 : index
    %swap3A_292 = tpu.vector_load %arg10[%swap3A_291] {strides = array<i32>} : memref<64xf32, #tpu.memory_space<vmem>>, vector<16xf32>,
    tpu.vector_store %arg10[%swap3A_291], %add3A_290 {strides = array<i32>} : memref<64xf32, #tpu.memory_space<vmem>>, vector<16xf32>,
    %broadcast_in_dim3A_293 = arith.constant 0.000000e+00 : f32
    %broadcast_in_dim3A_294 = vector.broadcast %broadcast_in_dim3A_293 : f32 to vector<16xf32>
    %get3A_295 = arith.constant 48 : index
    %get3A_296 = tpu.vector_load %arg9[%get3A_295] {strides = array<i32>} : memref<1024xf32, #tpu.memory_space<vmem>>, vector<16xf32>,
    %add3A_297 = arith.addf %broadcast_in_dim3A_294, %get3A_296 : vector<16xf32>
    %get3A_298 = arith.constant 112 : index
    %get3A_299 = tpu.vector_load %arg9[%get3A_298] {strides = array<i32>} : memref<1024xf32, #tpu.memory_space<vmem>>, vector<16xf32>,
    %add3A_300 = arith.addf %add3A_297, %get3A_299 : vector<16xf32>
    %get3A_301 = arith.constant 176 : index
    %get3A_302 = tpu.vector_load %arg9[%get3A_301] {strides = array<i32>} : memref<1024xf32, #tpu.memory_space<vmem>>, vector<16xf32>,
    %add3A_303 = arith.addf %add3A_300, %get3A_302 : vector<16xf32>
    %get3A_304 = arith.constant 240 : index
    %get3A_305 = tpu.vector_load %arg9[%get3A_304] {strides = array<i32>} : memref<1024xf32, #tpu.memory_space<vmem>>, vector<16xf32>,
    %add3A_306 = arith.addf %add3A_303, %get3A_305 : vector<16xf32>
    %get3A_307 = arith.constant 304 : index
    %get3A_308 = tpu.vector_load %arg9[%get3A_307] {strides = array<i32>} : memref<1024xf32, #tpu.memory_space<vmem>>, vector<16xf32>,
    %add3A_309 = arith.addf %add3A_306, %get3A_308 : vector<16xf32>
    %get3A_310 = arith.constant 368 : index
    %get3A_311 = tpu.vector_load %arg9[%get3A_310] {strides = array<i32>} : memref<1024xf32, #tpu.memory_space<vmem>>, vector<16xf32>,
    %add3A_312 = arith.addf %add3A_309, %get3A_311 : vector<16xf32>
    %get3A_313 = arith.constant 432 : index
    %get3A_314 = tpu.vector_load %arg9[%get3A_313] {strides = array<i32>} : memref<1024xf32, #tpu.memory_space<vmem>>, vector<16xf32>,
    %add3A_315 = arith.addf %add3A_312, %get3A_314 : vector<16xf32>
    %get3A_316 = arith.constant 496 : index
    %get3A_317 = tpu.vector_load %arg9[%get3A_316] {strides = array<i32>} : memref<1024xf32, #tpu.memory_space<vmem>>, vector<16xf32>,
    %add3A_318 = arith.addf %add3A_315, %get3A_317 : vector<16xf32>
    %get3A_319 = arith.constant 560 : index
    %get3A_320 = tpu.vector_load %arg9[%get3A_319] {strides = array<i32>} : memref<1024xf32, #tpu.memory_space<vmem>>, vector<16xf32>,
    %add3A_321 = arith.addf %add3A_318, %get3A_320 : vector<16xf32>
    %get3A_322 = arith.constant 624 : index
    %get3A_323 = tpu.vector_load %arg9[%get3A_322] {strides = array<i32>} : memref<1024xf32, #tpu.memory_space<vmem>>, vector<16xf32>,
    %add3A_324 = arith.addf %add3A_321, %get3A_323 : vector<16xf32>
    %get3A_325 = arith.constant 688 : index
    %get3A_326 = tpu.vector_load %arg9[%get3A_325] {strides = array<i32>} : memref<1024xf32, #tpu.memory_space<vmem>>, vector<16xf32>,
    %add3A_327 = arith.addf %add3A_324, %get3A_326 : vector<16xf32>
    %get3A_328 = arith.constant 752 : index
    %get3A_329 = tpu.vector_load %arg9[%get3A_328] {strides = array<i32>} : memref<1024xf32, #tpu.memory_space<vmem>>, vector<16xf32>,
    %add3A_330 = arith.addf %add3A_327, %get3A_329 : vector<16xf32>
    %get3A_331 = arith.constant 816 : index
    %get3A_332 = tpu.vector_load %arg9[%get3A_331] {strides = array<i32>} : memref<1024xf32, #tpu.memory_space<vmem>>, vector<16xf32>,
    %add3A_333 = arith.addf %add3A_330, %get3A_332 : vector<16xf32>
    %get3A_334 = arith.constant 880 : index
    %get3A_335 = tpu.vector_load %arg9[%get3A_334] {strides = array<i32>} : memref<1024xf32, #tpu.memory_space<vmem>>, vector<16xf32>,
    %add3A_336 = arith.addf %add3A_333, %get3A_335 : vector<16xf32>
    %get3A_337 = arith.constant 944 : index
    %get3A_338 = tpu.vector_load %arg9[%get3A_337] {strides = array<i32>} : memref<1024xf32, #tpu.memory_space<vmem>>, vector<16xf32>,
    %add3A_339 = arith.addf %add3A_336, %get3A_338 : vector<16xf32>
    %get3A_340 = arith.constant 1008 : index
    %get3A_341 = tpu.vector_load %arg9[%get3A_340] {strides = array<i32>} : memref<1024xf32, #tpu.memory_space<vmem>>, vector<16xf32>,
    %add3A_342 = arith.addf %add3A_339, %get3A_341 : vector<16xf32>
    %swap3A_343 = arith.constant 48 : index
    %swap3A_344 = tpu.vector_load %arg10[%swap3A_343] {strides = array<i32>} : memref<64xf32, #tpu.memory_space<vmem>>, vector<16xf32>,
    tpu.vector_store %arg10[%swap3A_343], %add3A_342 {strides = array<i32>} : memref<64xf32, #tpu.memory_space<vmem>>, vector<16xf32>,
    "tpu.region"() ({
      %run_scoped3A = tpu.sem_alloc : memref<!tpu.dma_semaphore, #tpu.memory_space<semaphore_mem>>
      %dma_start3A = arith.constant 0 : i32
      %dma_start3A_345 = tpu.memref_slice %arg5[%add3A, %dma_start3A] : memref<32x64xf32, #tpu.memory_space<hbm>> -> memref<1x64xf32, #tpu.memory_space<hbm>>
      %dma_start3A_346 = tpu.memref_squeeze %dma_start3A_345 : memref<1x64xf32, #tpu.memory_space<hbm>> -> memref<64xf32, #tpu.memory_space<hbm>>
      %dma_start3A_347 = arith.constant 0 : i32
      %dma_start3A_348 = tpu.memref_slice %arg5[%add3A, %dma_start3A_347] : memref<32x64xf32, #tpu.memory_space<hbm>> -> memref<1x64xf32, #tpu.memory_space<hbm>>
      %dma_start3A_349 = tpu.memref_squeeze %dma_start3A_348 : memref<1x64xf32, #tpu.memory_space<hbm>> -> memref<64xf32, #tpu.memory_space<hbm>>
      tpu.enqueue_dma source(%arg10 : memref<64xf32, #tpu.memory_space<vmem>>) target(%dma_start3A_349 : memref<64xf32, #tpu.memory_space<hbm>>) target_semaphore(%run_scoped3A : memref<!tpu.dma_semaphore, #tpu.memory_space<semaphore_mem>>)
      %dma_wait3A = arith.constant 0 : i32
      %dma_wait3A_350 = tpu.memref_slice %arg5[%add3A, %dma_wait3A] : memref<32x64xf32, #tpu.memory_space<hbm>> -> memref<1x64xf32, #tpu.memory_space<hbm>>
      %dma_wait3A_351 = tpu.memref_squeeze %dma_wait3A_350 : memref<1x64xf32, #tpu.memory_space<hbm>> -> memref<64xf32, #tpu.memory_space<hbm>>
      %dma_wait3A_352 = arith.constant 0 : i32
      %dma_wait3A_353 = tpu.memref_slice %arg5[%add3A, %dma_wait3A_352] : memref<32x64xf32, #tpu.memory_space<hbm>> -> memref<1x64xf32, #tpu.memory_space<hbm>>
      %dma_wait3A_354 = tpu.memref_squeeze %dma_wait3A_353 : memref<1x64xf32, #tpu.memory_space<hbm>> -> memref<64xf32, #tpu.memory_space<hbm>>
      tpu.wait_dma2 semaphore(%run_scoped3A : memref<!tpu.dma_semaphore, #tpu.memory_space<semaphore_mem>>) src(%arg10 : memref<64xf32, #tpu.memory_space<vmem>>) dst(%dma_wait3A_354 : memref<64xf32, #tpu.memory_space<hbm>>)
      tpu.yield
    }) : () -> ()
    return
  }
}

module attributes {stable_mosaic.version = 14 : i64} {
  func.func @_fused_kernel(%arg0: i32, %arg1: memref<17xi32, #tpu.memory_space<smem>>, %arg2: memref<1024x19xf32, #tpu.memory_space<vmem>>, %arg3: memref<1024x19xf32, #tpu.memory_space<vmem>>, %arg4: memref<32x4x16xf32, #tpu.memory_space<vmem>>, %arg5: memref<19x32xf32, #tpu.memory_space<vmem>>, %arg6: memref<1x32xf32, #tpu.memory_space<vmem>>, %arg7: memref<32x16xf32, #tpu.memory_space<vmem>>, %arg8: memref<1x16xf32, #tpu.memory_space<vmem>>, %arg9: memref<1024x15xf32, #tpu.memory_space<vmem>>, %arg10: memref<1024x4xf32, #tpu.memory_space<vmem>>, %arg11: memref<1024x16xf32, #tpu.memory_space<vmem>>, %arg12: memref<1x1024xf32, #tpu.memory_space<vmem>>, %arg13: memref<1x1024xi32, #tpu.memory_space<vmem>>) attributes {dimension_semantics = [#tpu.dimension_semantics<arbitrary>], iteration_bounds = array<i64: 32>, scalar_prefetch = 0 : i64, scratch_operands = 0 : i64, tpu.core_type = #tpu.core_type<tc>, window_params = [{transform_indices = @transform_0, window_bounds = array<i64: 17>}, {transform_indices = @transform_1, window_bounds = array<i64: 1024, 19>}, {transform_indices = @transform_2, window_bounds = array<i64: 1024, 19>}, {pipeline_mode = #tpu.pipeline_mode<synchronous>, transform_indices = @transform_3, window_bounds = array<i64: 32, 4, 16>}, {pipeline_mode = #tpu.pipeline_mode<synchronous>, transform_indices = @transform_4, window_bounds = array<i64: 19, 32>}, {pipeline_mode = #tpu.pipeline_mode<synchronous>, transform_indices = @transform_5, window_bounds = array<i64: 1, 32>}, {pipeline_mode = #tpu.pipeline_mode<synchronous>, transform_indices = @transform_6, window_bounds = array<i64: 32, 16>}, {pipeline_mode = #tpu.pipeline_mode<synchronous>, transform_indices = @transform_7, window_bounds = array<i64: 1, 16>}, {transform_indices = @transform_8, window_bounds = array<i64: 1024, 15>}, {transform_indices = @transform_9, window_bounds = array<i64: 1024, 4>}, {transform_indices = @transform_10, window_bounds = array<i64: 1024, 16>}, {transform_indices = @transform_11, window_bounds = array<i64: 1, 1024>}, {transform_indices = @transform_12, window_bounds = array<i64: 1, 1024>}]} {
    %mul3A = arith.constant 1024 : i32
    %mul3A_0 = arith.muli %arg0, %mul3A : i32
    %iota3A = tpu.iota {dimensions = array<i32: 0>} : vector<1024x1xi32>
    %add3A = vector.broadcast %mul3A_0 : i32 to vector<1024x1xi32>
    %add3A_1 = arith.addi %iota3A, %add3A : vector<1024x1xi32>
    %broadcast_in_dim3A = arith.constant 0 : i32
    %broadcast_in_dim3A_2 = vector.broadcast %broadcast_in_dim3A : i32 to vector<1024x1xi32>
    %get3A = arith.constant 1 : index
    %get3A_3 = memref.load %arg1[%get3A] : memref<17xi32, #tpu.memory_space<smem>>
    %sub3A = arith.constant 1 : i32
    %sub3A_4 = arith.subi %get3A_3, %sub3A : i32
    %ge3A = vector.broadcast %sub3A_4 : i32 to vector<1024x1xi32>
    %ge3A_5 = arith.cmpi sge, %add3A_1, %ge3A : vector<1024x1xi32>
    %convert_element_type3A = arith.extui %ge3A_5 : vector<1024x1xi1> to vector<1024x1xi32>
    %add3A_6 = arith.addi %broadcast_in_dim3A_2, %convert_element_type3A : vector<1024x1xi32>
    %get3A_7 = arith.constant 2 : index
    %get3A_8 = memref.load %arg1[%get3A_7] : memref<17xi32, #tpu.memory_space<smem>>
    %sub3A_9 = arith.constant 2 : i32
    %sub3A_10 = arith.subi %get3A_8, %sub3A_9 : i32
    %ge3A_11 = vector.broadcast %sub3A_10 : i32 to vector<1024x1xi32>
    %ge3A_12 = arith.cmpi sge, %add3A_1, %ge3A_11 : vector<1024x1xi32>
    %convert_element_type3A_13 = arith.extui %ge3A_12 : vector<1024x1xi1> to vector<1024x1xi32>
    %add3A_14 = arith.addi %add3A_6, %convert_element_type3A_13 : vector<1024x1xi32>
    %get3A_15 = arith.constant 3 : index
    %get3A_16 = memref.load %arg1[%get3A_15] : memref<17xi32, #tpu.memory_space<smem>>
    %sub3A_17 = arith.constant 3 : i32
    %sub3A_18 = arith.subi %get3A_16, %sub3A_17 : i32
    %ge3A_19 = vector.broadcast %sub3A_18 : i32 to vector<1024x1xi32>
    %ge3A_20 = arith.cmpi sge, %add3A_1, %ge3A_19 : vector<1024x1xi32>
    %convert_element_type3A_21 = arith.extui %ge3A_20 : vector<1024x1xi1> to vector<1024x1xi32>
    %add3A_22 = arith.addi %add3A_14, %convert_element_type3A_21 : vector<1024x1xi32>
    %get3A_23 = arith.constant 4 : index
    %get3A_24 = memref.load %arg1[%get3A_23] : memref<17xi32, #tpu.memory_space<smem>>
    %sub3A_25 = arith.constant 4 : i32
    %sub3A_26 = arith.subi %get3A_24, %sub3A_25 : i32
    %ge3A_27 = vector.broadcast %sub3A_26 : i32 to vector<1024x1xi32>
    %ge3A_28 = arith.cmpi sge, %add3A_1, %ge3A_27 : vector<1024x1xi32>
    %convert_element_type3A_29 = arith.extui %ge3A_28 : vector<1024x1xi1> to vector<1024x1xi32>
    %add3A_30 = arith.addi %add3A_22, %convert_element_type3A_29 : vector<1024x1xi32>
    %get3A_31 = arith.constant 5 : index
    %get3A_32 = memref.load %arg1[%get3A_31] : memref<17xi32, #tpu.memory_space<smem>>
    %sub3A_33 = arith.constant 5 : i32
    %sub3A_34 = arith.subi %get3A_32, %sub3A_33 : i32
    %ge3A_35 = vector.broadcast %sub3A_34 : i32 to vector<1024x1xi32>
    %ge3A_36 = arith.cmpi sge, %add3A_1, %ge3A_35 : vector<1024x1xi32>
    %convert_element_type3A_37 = arith.extui %ge3A_36 : vector<1024x1xi1> to vector<1024x1xi32>
    %add3A_38 = arith.addi %add3A_30, %convert_element_type3A_37 : vector<1024x1xi32>
    %get3A_39 = arith.constant 6 : index
    %get3A_40 = memref.load %arg1[%get3A_39] : memref<17xi32, #tpu.memory_space<smem>>
    %sub3A_41 = arith.constant 6 : i32
    %sub3A_42 = arith.subi %get3A_40, %sub3A_41 : i32
    %ge3A_43 = vector.broadcast %sub3A_42 : i32 to vector<1024x1xi32>
    %ge3A_44 = arith.cmpi sge, %add3A_1, %ge3A_43 : vector<1024x1xi32>
    %convert_element_type3A_45 = arith.extui %ge3A_44 : vector<1024x1xi1> to vector<1024x1xi32>
    %add3A_46 = arith.addi %add3A_38, %convert_element_type3A_45 : vector<1024x1xi32>
    %get3A_47 = arith.constant 7 : index
    %get3A_48 = memref.load %arg1[%get3A_47] : memref<17xi32, #tpu.memory_space<smem>>
    %sub3A_49 = arith.constant 7 : i32
    %sub3A_50 = arith.subi %get3A_48, %sub3A_49 : i32
    %ge3A_51 = vector.broadcast %sub3A_50 : i32 to vector<1024x1xi32>
    %ge3A_52 = arith.cmpi sge, %add3A_1, %ge3A_51 : vector<1024x1xi32>
    %convert_element_type3A_53 = arith.extui %ge3A_52 : vector<1024x1xi1> to vector<1024x1xi32>
    %add3A_54 = arith.addi %add3A_46, %convert_element_type3A_53 : vector<1024x1xi32>
    %get3A_55 = arith.constant 8 : index
    %get3A_56 = memref.load %arg1[%get3A_55] : memref<17xi32, #tpu.memory_space<smem>>
    %sub3A_57 = arith.constant 8 : i32
    %sub3A_58 = arith.subi %get3A_56, %sub3A_57 : i32
    %ge3A_59 = vector.broadcast %sub3A_58 : i32 to vector<1024x1xi32>
    %ge3A_60 = arith.cmpi sge, %add3A_1, %ge3A_59 : vector<1024x1xi32>
    %convert_element_type3A_61 = arith.extui %ge3A_60 : vector<1024x1xi1> to vector<1024x1xi32>
    %add3A_62 = arith.addi %add3A_54, %convert_element_type3A_61 : vector<1024x1xi32>
    %get3A_63 = arith.constant 9 : index
    %get3A_64 = memref.load %arg1[%get3A_63] : memref<17xi32, #tpu.memory_space<smem>>
    %sub3A_65 = arith.constant 9 : i32
    %sub3A_66 = arith.subi %get3A_64, %sub3A_65 : i32
    %ge3A_67 = vector.broadcast %sub3A_66 : i32 to vector<1024x1xi32>
    %ge3A_68 = arith.cmpi sge, %add3A_1, %ge3A_67 : vector<1024x1xi32>
    %convert_element_type3A_69 = arith.extui %ge3A_68 : vector<1024x1xi1> to vector<1024x1xi32>
    %add3A_70 = arith.addi %add3A_62, %convert_element_type3A_69 : vector<1024x1xi32>
    %get3A_71 = arith.constant 10 : index
    %get3A_72 = memref.load %arg1[%get3A_71] : memref<17xi32, #tpu.memory_space<smem>>
    %sub3A_73 = arith.constant 10 : i32
    %sub3A_74 = arith.subi %get3A_72, %sub3A_73 : i32
    %ge3A_75 = vector.broadcast %sub3A_74 : i32 to vector<1024x1xi32>
    %ge3A_76 = arith.cmpi sge, %add3A_1, %ge3A_75 : vector<1024x1xi32>
    %convert_element_type3A_77 = arith.extui %ge3A_76 : vector<1024x1xi1> to vector<1024x1xi32>
    %add3A_78 = arith.addi %add3A_70, %convert_element_type3A_77 : vector<1024x1xi32>
    %get3A_79 = arith.constant 11 : index
    %get3A_80 = memref.load %arg1[%get3A_79] : memref<17xi32, #tpu.memory_space<smem>>
    %sub3A_81 = arith.constant 11 : i32
    %sub3A_82 = arith.subi %get3A_80, %sub3A_81 : i32
    %ge3A_83 = vector.broadcast %sub3A_82 : i32 to vector<1024x1xi32>
    %ge3A_84 = arith.cmpi sge, %add3A_1, %ge3A_83 : vector<1024x1xi32>
    %convert_element_type3A_85 = arith.extui %ge3A_84 : vector<1024x1xi1> to vector<1024x1xi32>
    %add3A_86 = arith.addi %add3A_78, %convert_element_type3A_85 : vector<1024x1xi32>
    %get3A_87 = arith.constant 12 : index
    %get3A_88 = memref.load %arg1[%get3A_87] : memref<17xi32, #tpu.memory_space<smem>>
    %sub3A_89 = arith.constant 12 : i32
    %sub3A_90 = arith.subi %get3A_88, %sub3A_89 : i32
    %ge3A_91 = vector.broadcast %sub3A_90 : i32 to vector<1024x1xi32>
    %ge3A_92 = arith.cmpi sge, %add3A_1, %ge3A_91 : vector<1024x1xi32>
    %convert_element_type3A_93 = arith.extui %ge3A_92 : vector<1024x1xi1> to vector<1024x1xi32>
    %add3A_94 = arith.addi %add3A_86, %convert_element_type3A_93 : vector<1024x1xi32>
    %get3A_95 = arith.constant 13 : index
    %get3A_96 = memref.load %arg1[%get3A_95] : memref<17xi32, #tpu.memory_space<smem>>
    %sub3A_97 = arith.constant 13 : i32
    %sub3A_98 = arith.subi %get3A_96, %sub3A_97 : i32
    %ge3A_99 = vector.broadcast %sub3A_98 : i32 to vector<1024x1xi32>
    %ge3A_100 = arith.cmpi sge, %add3A_1, %ge3A_99 : vector<1024x1xi32>
    %convert_element_type3A_101 = arith.extui %ge3A_100 : vector<1024x1xi1> to vector<1024x1xi32>
    %add3A_102 = arith.addi %add3A_94, %convert_element_type3A_101 : vector<1024x1xi32>
    %get3A_103 = arith.constant 14 : index
    %get3A_104 = memref.load %arg1[%get3A_103] : memref<17xi32, #tpu.memory_space<smem>>
    %sub3A_105 = arith.constant 14 : i32
    %sub3A_106 = arith.subi %get3A_104, %sub3A_105 : i32
    %ge3A_107 = vector.broadcast %sub3A_106 : i32 to vector<1024x1xi32>
    %ge3A_108 = arith.cmpi sge, %add3A_1, %ge3A_107 : vector<1024x1xi32>
    %convert_element_type3A_109 = arith.extui %ge3A_108 : vector<1024x1xi1> to vector<1024x1xi32>
    %add3A_110 = arith.addi %add3A_102, %convert_element_type3A_109 : vector<1024x1xi32>
    %get3A_111 = arith.constant 15 : index
    %get3A_112 = memref.load %arg1[%get3A_111] : memref<17xi32, #tpu.memory_space<smem>>
    %sub3A_113 = arith.constant 15 : i32
    %sub3A_114 = arith.subi %get3A_112, %sub3A_113 : i32
    %ge3A_115 = vector.broadcast %sub3A_114 : i32 to vector<1024x1xi32>
    %ge3A_116 = arith.cmpi sge, %add3A_1, %ge3A_115 : vector<1024x1xi32>
    %convert_element_type3A_117 = arith.extui %ge3A_116 : vector<1024x1xi1> to vector<1024x1xi32>
    %add3A_118 = arith.addi %add3A_110, %convert_element_type3A_117 : vector<1024x1xi32>
    %get3A_119 = arith.constant 0 : index
    %get3A_120 = arith.constant 0 : index
    %get3A_121 = vector.load %arg2[%get3A_119, %get3A_120] : memref<1024x19xf32, #tpu.memory_space<vmem>>, vector<1024x19xf32>
    %get3A_122 = arith.constant 0 : index
    %get3A_123 = arith.constant 0 : index
    %get3A_124 = vector.load %arg3[%get3A_122, %get3A_123] : memref<1024x19xf32, #tpu.memory_space<vmem>>, vector<16x19xf32>
    %concatenate3A = tpu.concatenate %get3A_121, %get3A_124 in 0 : vector<1024x19xf32>, vector<16x19xf32> -> vector<1040x19xf32>
    %broadcast_in_dim3A_125 = arith.constant 0.000000e+00 : f32
    %broadcast_in_dim3A_126 = vector.broadcast %broadcast_in_dim3A_125 : f32 to vector<1024x19xf32>
    %eq3A = arith.constant 0 : i32
    %eq3A_127 = vector.broadcast %eq3A : i32 to vector<1024x1xi32>
    %eq3A_128 = arith.cmpi eq, %add3A_118, %eq3A_127 : vector<1024x1xi32>
    %convert_element_type3A_129 = arith.extui %eq3A_128 : vector<1024x1xi1> to vector<1024x1xi32>
    %convert_element_type3A_130 = arith.sitofp %convert_element_type3A_129 : vector<1024x1xi32> to vector<1024x1xf32>
    %slice3A = vector.extract_strided_slice %concatenate3A {offsets = [1, 0], sizes = [1024, 19], strides = [1, 1]} : vector<1040x19xf32> to vector<1024x19xf32>
    %mul3A_131 = vector.broadcast %convert_element_type3A_130 : vector<1024x1xf32> to vector<1024x19xf32>
    %mul3A_132 = arith.mulf %mul3A_131, %slice3A : vector<1024x19xf32>
    %add3A_133 = arith.addf %broadcast_in_dim3A_126, %mul3A_132 : vector<1024x19xf32>
    %eq3A_134 = arith.constant 1 : i32
    %eq3A_135 = vector.broadcast %eq3A_134 : i32 to vector<1024x1xi32>
    %eq3A_136 = arith.cmpi eq, %add3A_118, %eq3A_135 : vector<1024x1xi32>
    %convert_element_type3A_137 = arith.extui %eq3A_136 : vector<1024x1xi1> to vector<1024x1xi32>
    %convert_element_type3A_138 = arith.sitofp %convert_element_type3A_137 : vector<1024x1xi32> to vector<1024x1xf32>
    %slice3A_139 = vector.extract_strided_slice %concatenate3A {offsets = [2, 0], sizes = [1024, 19], strides = [1, 1]} : vector<1040x19xf32> to vector<1024x19xf32>
    %mul3A_140 = vector.broadcast %convert_element_type3A_138 : vector<1024x1xf32> to vector<1024x19xf32>
    %mul3A_141 = arith.mulf %mul3A_140, %slice3A_139 : vector<1024x19xf32>
    %add3A_142 = arith.addf %add3A_133, %mul3A_141 : vector<1024x19xf32>
    %eq3A_143 = arith.constant 2 : i32
    %eq3A_144 = vector.broadcast %eq3A_143 : i32 to vector<1024x1xi32>
    %eq3A_145 = arith.cmpi eq, %add3A_118, %eq3A_144 : vector<1024x1xi32>
    %convert_element_type3A_146 = arith.extui %eq3A_145 : vector<1024x1xi1> to vector<1024x1xi32>
    %convert_element_type3A_147 = arith.sitofp %convert_element_type3A_146 : vector<1024x1xi32> to vector<1024x1xf32>
    %slice3A_148 = vector.extract_strided_slice %concatenate3A {offsets = [3, 0], sizes = [1024, 19], strides = [1, 1]} : vector<1040x19xf32> to vector<1024x19xf32>
    %mul3A_149 = vector.broadcast %convert_element_type3A_147 : vector<1024x1xf32> to vector<1024x19xf32>
    %mul3A_150 = arith.mulf %mul3A_149, %slice3A_148 : vector<1024x19xf32>
    %add3A_151 = arith.addf %add3A_142, %mul3A_150 : vector<1024x19xf32>
    %eq3A_152 = arith.constant 3 : i32
    %eq3A_153 = vector.broadcast %eq3A_152 : i32 to vector<1024x1xi32>
    %eq3A_154 = arith.cmpi eq, %add3A_118, %eq3A_153 : vector<1024x1xi32>
    %convert_element_type3A_155 = arith.extui %eq3A_154 : vector<1024x1xi1> to vector<1024x1xi32>
    %convert_element_type3A_156 = arith.sitofp %convert_element_type3A_155 : vector<1024x1xi32> to vector<1024x1xf32>
    %slice3A_157 = vector.extract_strided_slice %concatenate3A {offsets = [4, 0], sizes = [1024, 19], strides = [1, 1]} : vector<1040x19xf32> to vector<1024x19xf32>
    %mul3A_158 = vector.broadcast %convert_element_type3A_156 : vector<1024x1xf32> to vector<1024x19xf32>
    %mul3A_159 = arith.mulf %mul3A_158, %slice3A_157 : vector<1024x19xf32>
    %add3A_160 = arith.addf %add3A_151, %mul3A_159 : vector<1024x19xf32>
    %eq3A_161 = arith.constant 4 : i32
    %eq3A_162 = vector.broadcast %eq3A_161 : i32 to vector<1024x1xi32>
    %eq3A_163 = arith.cmpi eq, %add3A_118, %eq3A_162 : vector<1024x1xi32>
    %convert_element_type3A_164 = arith.extui %eq3A_163 : vector<1024x1xi1> to vector<1024x1xi32>
    %convert_element_type3A_165 = arith.sitofp %convert_element_type3A_164 : vector<1024x1xi32> to vector<1024x1xf32>
    %slice3A_166 = vector.extract_strided_slice %concatenate3A {offsets = [5, 0], sizes = [1024, 19], strides = [1, 1]} : vector<1040x19xf32> to vector<1024x19xf32>
    %mul3A_167 = vector.broadcast %convert_element_type3A_165 : vector<1024x1xf32> to vector<1024x19xf32>
    %mul3A_168 = arith.mulf %mul3A_167, %slice3A_166 : vector<1024x19xf32>
    %add3A_169 = arith.addf %add3A_160, %mul3A_168 : vector<1024x19xf32>
    %eq3A_170 = arith.constant 5 : i32
    %eq3A_171 = vector.broadcast %eq3A_170 : i32 to vector<1024x1xi32>
    %eq3A_172 = arith.cmpi eq, %add3A_118, %eq3A_171 : vector<1024x1xi32>
    %convert_element_type3A_173 = arith.extui %eq3A_172 : vector<1024x1xi1> to vector<1024x1xi32>
    %convert_element_type3A_174 = arith.sitofp %convert_element_type3A_173 : vector<1024x1xi32> to vector<1024x1xf32>
    %slice3A_175 = vector.extract_strided_slice %concatenate3A {offsets = [6, 0], sizes = [1024, 19], strides = [1, 1]} : vector<1040x19xf32> to vector<1024x19xf32>
    %mul3A_176 = vector.broadcast %convert_element_type3A_174 : vector<1024x1xf32> to vector<1024x19xf32>
    %mul3A_177 = arith.mulf %mul3A_176, %slice3A_175 : vector<1024x19xf32>
    %add3A_178 = arith.addf %add3A_169, %mul3A_177 : vector<1024x19xf32>
    %eq3A_179 = arith.constant 6 : i32
    %eq3A_180 = vector.broadcast %eq3A_179 : i32 to vector<1024x1xi32>
    %eq3A_181 = arith.cmpi eq, %add3A_118, %eq3A_180 : vector<1024x1xi32>
    %convert_element_type3A_182 = arith.extui %eq3A_181 : vector<1024x1xi1> to vector<1024x1xi32>
    %convert_element_type3A_183 = arith.sitofp %convert_element_type3A_182 : vector<1024x1xi32> to vector<1024x1xf32>
    %slice3A_184 = vector.extract_strided_slice %concatenate3A {offsets = [7, 0], sizes = [1024, 19], strides = [1, 1]} : vector<1040x19xf32> to vector<1024x19xf32>
    %mul3A_185 = vector.broadcast %convert_element_type3A_183 : vector<1024x1xf32> to vector<1024x19xf32>
    %mul3A_186 = arith.mulf %mul3A_185, %slice3A_184 : vector<1024x19xf32>
    %add3A_187 = arith.addf %add3A_178, %mul3A_186 : vector<1024x19xf32>
    %eq3A_188 = arith.constant 7 : i32
    %eq3A_189 = vector.broadcast %eq3A_188 : i32 to vector<1024x1xi32>
    %eq3A_190 = arith.cmpi eq, %add3A_118, %eq3A_189 : vector<1024x1xi32>
    %convert_element_type3A_191 = arith.extui %eq3A_190 : vector<1024x1xi1> to vector<1024x1xi32>
    %convert_element_type3A_192 = arith.sitofp %convert_element_type3A_191 : vector<1024x1xi32> to vector<1024x1xf32>
    %slice3A_193 = vector.extract_strided_slice %concatenate3A {offsets = [8, 0], sizes = [1024, 19], strides = [1, 1]} : vector<1040x19xf32> to vector<1024x19xf32>
    %mul3A_194 = vector.broadcast %convert_element_type3A_192 : vector<1024x1xf32> to vector<1024x19xf32>
    %mul3A_195 = arith.mulf %mul3A_194, %slice3A_193 : vector<1024x19xf32>
    %add3A_196 = arith.addf %add3A_187, %mul3A_195 : vector<1024x19xf32>
    %eq3A_197 = arith.constant 8 : i32
    %eq3A_198 = vector.broadcast %eq3A_197 : i32 to vector<1024x1xi32>
    %eq3A_199 = arith.cmpi eq, %add3A_118, %eq3A_198 : vector<1024x1xi32>
    %convert_element_type3A_200 = arith.extui %eq3A_199 : vector<1024x1xi1> to vector<1024x1xi32>
    %convert_element_type3A_201 = arith.sitofp %convert_element_type3A_200 : vector<1024x1xi32> to vector<1024x1xf32>
    %slice3A_202 = vector.extract_strided_slice %concatenate3A {offsets = [9, 0], sizes = [1024, 19], strides = [1, 1]} : vector<1040x19xf32> to vector<1024x19xf32>
    %mul3A_203 = vector.broadcast %convert_element_type3A_201 : vector<1024x1xf32> to vector<1024x19xf32>
    %mul3A_204 = arith.mulf %mul3A_203, %slice3A_202 : vector<1024x19xf32>
    %add3A_205 = arith.addf %add3A_196, %mul3A_204 : vector<1024x19xf32>
    %eq3A_206 = arith.constant 9 : i32
    %eq3A_207 = vector.broadcast %eq3A_206 : i32 to vector<1024x1xi32>
    %eq3A_208 = arith.cmpi eq, %add3A_118, %eq3A_207 : vector<1024x1xi32>
    %convert_element_type3A_209 = arith.extui %eq3A_208 : vector<1024x1xi1> to vector<1024x1xi32>
    %convert_element_type3A_210 = arith.sitofp %convert_element_type3A_209 : vector<1024x1xi32> to vector<1024x1xf32>
    %slice3A_211 = vector.extract_strided_slice %concatenate3A {offsets = [10, 0], sizes = [1024, 19], strides = [1, 1]} : vector<1040x19xf32> to vector<1024x19xf32>
    %mul3A_212 = vector.broadcast %convert_element_type3A_210 : vector<1024x1xf32> to vector<1024x19xf32>
    %mul3A_213 = arith.mulf %mul3A_212, %slice3A_211 : vector<1024x19xf32>
    %add3A_214 = arith.addf %add3A_205, %mul3A_213 : vector<1024x19xf32>
    %eq3A_215 = arith.constant 10 : i32
    %eq3A_216 = vector.broadcast %eq3A_215 : i32 to vector<1024x1xi32>
    %eq3A_217 = arith.cmpi eq, %add3A_118, %eq3A_216 : vector<1024x1xi32>
    %convert_element_type3A_218 = arith.extui %eq3A_217 : vector<1024x1xi1> to vector<1024x1xi32>
    %convert_element_type3A_219 = arith.sitofp %convert_element_type3A_218 : vector<1024x1xi32> to vector<1024x1xf32>
    %slice3A_220 = vector.extract_strided_slice %concatenate3A {offsets = [11, 0], sizes = [1024, 19], strides = [1, 1]} : vector<1040x19xf32> to vector<1024x19xf32>
    %mul3A_221 = vector.broadcast %convert_element_type3A_219 : vector<1024x1xf32> to vector<1024x19xf32>
    %mul3A_222 = arith.mulf %mul3A_221, %slice3A_220 : vector<1024x19xf32>
    %add3A_223 = arith.addf %add3A_214, %mul3A_222 : vector<1024x19xf32>
    %eq3A_224 = arith.constant 11 : i32
    %eq3A_225 = vector.broadcast %eq3A_224 : i32 to vector<1024x1xi32>
    %eq3A_226 = arith.cmpi eq, %add3A_118, %eq3A_225 : vector<1024x1xi32>
    %convert_element_type3A_227 = arith.extui %eq3A_226 : vector<1024x1xi1> to vector<1024x1xi32>
    %convert_element_type3A_228 = arith.sitofp %convert_element_type3A_227 : vector<1024x1xi32> to vector<1024x1xf32>
    %slice3A_229 = vector.extract_strided_slice %concatenate3A {offsets = [12, 0], sizes = [1024, 19], strides = [1, 1]} : vector<1040x19xf32> to vector<1024x19xf32>
    %mul3A_230 = vector.broadcast %convert_element_type3A_228 : vector<1024x1xf32> to vector<1024x19xf32>
    %mul3A_231 = arith.mulf %mul3A_230, %slice3A_229 : vector<1024x19xf32>
    %add3A_232 = arith.addf %add3A_223, %mul3A_231 : vector<1024x19xf32>
    %eq3A_233 = arith.constant 12 : i32
    %eq3A_234 = vector.broadcast %eq3A_233 : i32 to vector<1024x1xi32>
    %eq3A_235 = arith.cmpi eq, %add3A_118, %eq3A_234 : vector<1024x1xi32>
    %convert_element_type3A_236 = arith.extui %eq3A_235 : vector<1024x1xi1> to vector<1024x1xi32>
    %convert_element_type3A_237 = arith.sitofp %convert_element_type3A_236 : vector<1024x1xi32> to vector<1024x1xf32>
    %slice3A_238 = vector.extract_strided_slice %concatenate3A {offsets = [13, 0], sizes = [1024, 19], strides = [1, 1]} : vector<1040x19xf32> to vector<1024x19xf32>
    %mul3A_239 = vector.broadcast %convert_element_type3A_237 : vector<1024x1xf32> to vector<1024x19xf32>
    %mul3A_240 = arith.mulf %mul3A_239, %slice3A_238 : vector<1024x19xf32>
    %add3A_241 = arith.addf %add3A_232, %mul3A_240 : vector<1024x19xf32>
    %eq3A_242 = arith.constant 13 : i32
    %eq3A_243 = vector.broadcast %eq3A_242 : i32 to vector<1024x1xi32>
    %eq3A_244 = arith.cmpi eq, %add3A_118, %eq3A_243 : vector<1024x1xi32>
    %convert_element_type3A_245 = arith.extui %eq3A_244 : vector<1024x1xi1> to vector<1024x1xi32>
    %convert_element_type3A_246 = arith.sitofp %convert_element_type3A_245 : vector<1024x1xi32> to vector<1024x1xf32>
    %slice3A_247 = vector.extract_strided_slice %concatenate3A {offsets = [14, 0], sizes = [1024, 19], strides = [1, 1]} : vector<1040x19xf32> to vector<1024x19xf32>
    %mul3A_248 = vector.broadcast %convert_element_type3A_246 : vector<1024x1xf32> to vector<1024x19xf32>
    %mul3A_249 = arith.mulf %mul3A_248, %slice3A_247 : vector<1024x19xf32>
    %add3A_250 = arith.addf %add3A_241, %mul3A_249 : vector<1024x19xf32>
    %eq3A_251 = arith.constant 14 : i32
    %eq3A_252 = vector.broadcast %eq3A_251 : i32 to vector<1024x1xi32>
    %eq3A_253 = arith.cmpi eq, %add3A_118, %eq3A_252 : vector<1024x1xi32>
    %convert_element_type3A_254 = arith.extui %eq3A_253 : vector<1024x1xi1> to vector<1024x1xi32>
    %convert_element_type3A_255 = arith.sitofp %convert_element_type3A_254 : vector<1024x1xi32> to vector<1024x1xf32>
    %slice3A_256 = vector.extract_strided_slice %concatenate3A {offsets = [15, 0], sizes = [1024, 19], strides = [1, 1]} : vector<1040x19xf32> to vector<1024x19xf32>
    %mul3A_257 = vector.broadcast %convert_element_type3A_255 : vector<1024x1xf32> to vector<1024x19xf32>
    %mul3A_258 = arith.mulf %mul3A_257, %slice3A_256 : vector<1024x19xf32>
    %add3A_259 = arith.addf %add3A_250, %mul3A_258 : vector<1024x19xf32>
    %eq3A_260 = arith.constant 15 : i32
    %eq3A_261 = vector.broadcast %eq3A_260 : i32 to vector<1024x1xi32>
    %eq3A_262 = arith.cmpi eq, %add3A_118, %eq3A_261 : vector<1024x1xi32>
    %convert_element_type3A_263 = arith.extui %eq3A_262 : vector<1024x1xi1> to vector<1024x1xi32>
    %convert_element_type3A_264 = arith.sitofp %convert_element_type3A_263 : vector<1024x1xi32> to vector<1024x1xf32>
    %slice3A_265 = vector.extract_strided_slice %concatenate3A {offsets = [16, 0], sizes = [1024, 19], strides = [1, 1]} : vector<1040x19xf32> to vector<1024x19xf32>
    %mul3A_266 = vector.broadcast %convert_element_type3A_264 : vector<1024x1xf32> to vector<1024x19xf32>
    %mul3A_267 = arith.mulf %mul3A_266, %slice3A_265 : vector<1024x19xf32>
    %add3A_268 = arith.addf %add3A_259, %mul3A_267 : vector<1024x19xf32>
    %slice3A_269 = vector.extract_strided_slice %add3A_268 {offsets = [0, 0], sizes = [1024, 4], strides = [1, 1]} : vector<1024x19xf32> to vector<1024x4xf32>
    %slice3A_270 = vector.extract_strided_slice %add3A_268 {offsets = [0, 4], sizes = [1024, 8], strides = [1, 1]} : vector<1024x19xf32> to vector<1024x8xf32>
    %convert_element_type3A_271 = arith.truncf %add3A_268 : vector<1024x19xf32> to vector<1024x19xbf16>
    %get3A_272 = arith.constant 0 : index
    %get3A_273 = arith.constant 0 : index
    %get3A_274 = vector.load %arg5[%get3A_272, %get3A_273] : memref<19x32xf32, #tpu.memory_space<vmem>>, vector<19x32xf32>
    %convert_element_type3A_275 = arith.truncf %get3A_274 : vector<19x32xf32> to vector<19x32xbf16>
    %dot_general3A = arith.constant dense<0.000000e+00> : vector<1024x32xf32>
    %dot_general3A_276 = tpu.matmul %convert_element_type3A_271, %convert_element_type3A_275, %dot_general3A {dimension_numbers = #tpu.dot_dimension_numbers<[1], [0], [0], [1], [0, 0, 1, 1], [], []>, transpose_lhs_hint = false} : vector<1024x19xbf16>, vector<19x32xbf16>, vector<1024x32xf32> -> vector<1024x32xf32>
    %get3A_277 = arith.constant 0 : index
    %get3A_278 = arith.constant 0 : index
    %get3A_279 = vector.load %arg6[%get3A_277, %get3A_278] : memref<1x32xf32, #tpu.memory_space<vmem>>, vector<1x32xf32>
    %add3A_280 = vector.broadcast %get3A_279 : vector<1x32xf32> to vector<1024x32xf32>
    %add3A_281 = arith.addf %dot_general3A_276, %add3A_280 : vector<1024x32xf32>
    %tanh3A = math.tanh %add3A_281 : vector<1024x32xf32>
    %convert_element_type3A_282 = arith.truncf %tanh3A : vector<1024x32xf32> to vector<1024x32xbf16>
    %get3A_283 = arith.constant 0 : index
    %get3A_284 = arith.constant 0 : index
    %get3A_285 = vector.load %arg7[%get3A_283, %get3A_284] : memref<32x16xf32, #tpu.memory_space<vmem>>, vector<32x16xf32>
    %convert_element_type3A_286 = arith.truncf %get3A_285 : vector<32x16xf32> to vector<32x16xbf16>
    %dot_general3A_287 = arith.constant dense<0.000000e+00> : vector<1024x16xf32>
    %dot_general3A_288 = tpu.matmul %convert_element_type3A_282, %convert_element_type3A_286, %dot_general3A_287 {dimension_numbers = #tpu.dot_dimension_numbers<[1], [0], [0], [1], [0, 0, 1, 1], [], []>, transpose_lhs_hint = false} : vector<1024x32xbf16>, vector<32x16xbf16>, vector<1024x16xf32> -> vector<1024x16xf32>
    %get3A_289 = arith.constant 0 : index
    %get3A_290 = arith.constant 0 : index
    %get3A_291 = vector.load %arg8[%get3A_289, %get3A_290] : memref<1x16xf32, #tpu.memory_space<vmem>>, vector<1x16xf32>
    %add3A_292 = vector.broadcast %get3A_291 : vector<1x16xf32> to vector<1024x16xf32>
    %add3A_293 = arith.addf %dot_general3A_288, %add3A_292 : vector<1024x16xf32>
    %iota3A_294 = tpu.iota {dimensions = array<i32: 1>} : vector<1x16xi32>
    %jit3A = arith.constant 5 : i32
    %eq3A_295 = arith.constant 0 : i32
    %eq3A_296 = arith.cmpi eq, %jit3A, %eq3A_295 : i32
    %jit3A_297 = arith.constant 1 : i32
    %select_n3A = arith.select %eq3A_296, %jit3A_297, %jit3A : i32
    %rem3A = vector.broadcast %select_n3A : i32 to vector<1x16xi32>
    %rem3A_298 = arith.remsi %iota3A_294, %rem3A : vector<1x16xi32>
    %ne3A = arith.constant 0 : i32
    %ne3A_299 = vector.broadcast %ne3A : i32 to vector<1x16xi32>
    %ne3A_300 = arith.cmpi ne, %rem3A_298, %ne3A_299 : vector<1x16xi32>
    %lt3A = arith.constant 0 : i32
    %lt3A_301 = vector.broadcast %lt3A : i32 to vector<1x16xi32>
    %lt3A_302 = arith.cmpi slt, %rem3A_298, %lt3A_301 : vector<1x16xi32>
    %lt3A_303 = arith.constant 0 : i32
    %lt3A_304 = arith.cmpi slt, %select_n3A, %lt3A_303 : i32
    %ne3A_305 = vector.broadcast %lt3A_304 : i1 to vector<1x16xi1>
    %ne3A_306 = vector.broadcast %ne3A_305 : vector<1x16xi1> to vector<1x16xi1>
    %ne3A_307 = arith.xori %lt3A_302, %ne3A_306 : vector<1x16xi1>
    %and3A = arith.andi %ne3A_307, %ne3A_300 : vector<1x16xi1>
    %add3A_308 = vector.broadcast %select_n3A : i32 to vector<1x16xi32>
    %add3A_309 = arith.addi %rem3A_298, %add3A_308 : vector<1x16xi32>
    %select_n3A_310 = arith.select %and3A, %add3A_309, %rem3A_298 : vector<1x16xi1>, vector<1x16xi32>
    %eq3A_311 = arith.constant 0 : i32
    %eq3A_312 = vector.broadcast %eq3A_311 : i32 to vector<1x16xi32>
    %eq3A_313 = arith.cmpi eq, %select_n3A_310, %eq3A_312 : vector<1x16xi32>
    %convert_element_type3A_314 = arith.extui %eq3A_313 : vector<1x16xi1> to vector<1x16xi32>
    %convert_element_type3A_315 = arith.sitofp %convert_element_type3A_314 : vector<1x16xi32> to vector<1x16xf32>
    %mul3A_316 = arith.constant 1.000000e-01 : f32
    %mul3A_317 = vector.broadcast %mul3A_316 : f32 to vector<1024x16xf32>
    %mul3A_318 = arith.mulf %add3A_293, %mul3A_317 : vector<1024x16xf32>
    %add3A_319 = vector.broadcast %convert_element_type3A_315 : vector<1x16xf32> to vector<1024x16xf32>
    %add3A_320 = arith.addf %mul3A_318, %add3A_319 : vector<1024x16xf32>
    %transpose3A = tpu.transpose %add3A_320, [1, 0] : vector<1024x16xf32> -> vector<16x1024xf32>
    %slice3A_321 = vector.extract_strided_slice %transpose3A {offsets = [0, 0], sizes = [1, 1024], strides = [1, 1]} : vector<16x1024xf32> to vector<1x1024xf32>
    %slice3A_322 = vector.extract_strided_slice %transpose3A {offsets = [1, 0], sizes = [1, 1024], strides = [1, 1]} : vector<16x1024xf32> to vector<1x1024xf32>
    %slice3A_323 = vector.extract_strided_slice %transpose3A {offsets = [2, 0], sizes = [1, 1024], strides = [1, 1]} : vector<16x1024xf32> to vector<1x1024xf32>
    %slice3A_324 = vector.extract_strided_slice %transpose3A {offsets = [3, 0], sizes = [1, 1024], strides = [1, 1]} : vector<16x1024xf32> to vector<1x1024xf32>
    %slice3A_325 = vector.extract_strided_slice %transpose3A {offsets = [4, 0], sizes = [1, 1024], strides = [1, 1]} : vector<16x1024xf32> to vector<1x1024xf32>
    %slice3A_326 = vector.extract_strided_slice %transpose3A {offsets = [5, 0], sizes = [1, 1024], strides = [1, 1]} : vector<16x1024xf32> to vector<1x1024xf32>
    %slice3A_327 = vector.extract_strided_slice %transpose3A {offsets = [6, 0], sizes = [1, 1024], strides = [1, 1]} : vector<16x1024xf32> to vector<1x1024xf32>
    %slice3A_328 = vector.extract_strided_slice %transpose3A {offsets = [7, 0], sizes = [1, 1024], strides = [1, 1]} : vector<16x1024xf32> to vector<1x1024xf32>
    %slice3A_329 = vector.extract_strided_slice %transpose3A {offsets = [8, 0], sizes = [1, 1024], strides = [1, 1]} : vector<16x1024xf32> to vector<1x1024xf32>
    %slice3A_330 = vector.extract_strided_slice %transpose3A {offsets = [9, 0], sizes = [1, 1024], strides = [1, 1]} : vector<16x1024xf32> to vector<1x1024xf32>
    %slice3A_331 = vector.extract_strided_slice %transpose3A {offsets = [10, 0], sizes = [1, 1024], strides = [1, 1]} : vector<16x1024xf32> to vector<1x1024xf32>
    %slice3A_332 = vector.extract_strided_slice %transpose3A {offsets = [11, 0], sizes = [1, 1024], strides = [1, 1]} : vector<16x1024xf32> to vector<1x1024xf32>
    %slice3A_333 = vector.extract_strided_slice %transpose3A {offsets = [12, 0], sizes = [1, 1024], strides = [1, 1]} : vector<16x1024xf32> to vector<1x1024xf32>
    %slice3A_334 = vector.extract_strided_slice %transpose3A {offsets = [13, 0], sizes = [1, 1024], strides = [1, 1]} : vector<16x1024xf32> to vector<1x1024xf32>
    %slice3A_335 = vector.extract_strided_slice %transpose3A {offsets = [14, 0], sizes = [1, 1024], strides = [1, 1]} : vector<16x1024xf32> to vector<1x1024xf32>
    %slice3A_336 = vector.extract_strided_slice %transpose3A {offsets = [15, 0], sizes = [1, 1024], strides = [1, 1]} : vector<16x1024xf32> to vector<1x1024xf32>
    %mul3A_337 = arith.mulf %slice3A_321, %slice3A_326 : vector<1x1024xf32>
    %mul3A_338 = arith.mulf %slice3A_322, %slice3A_325 : vector<1x1024xf32>
    %sub3A_339 = arith.subf %mul3A_337, %mul3A_338 : vector<1x1024xf32>
    %mul3A_340 = arith.mulf %slice3A_321, %slice3A_327 : vector<1x1024xf32>
    %mul3A_341 = arith.mulf %slice3A_323, %slice3A_325 : vector<1x1024xf32>
    %sub3A_342 = arith.subf %mul3A_340, %mul3A_341 : vector<1x1024xf32>
    %mul3A_343 = arith.mulf %slice3A_321, %slice3A_328 : vector<1x1024xf32>
    %mul3A_344 = arith.mulf %slice3A_324, %slice3A_325 : vector<1x1024xf32>
    %sub3A_345 = arith.subf %mul3A_343, %mul3A_344 : vector<1x1024xf32>
    %mul3A_346 = arith.mulf %slice3A_322, %slice3A_327 : vector<1x1024xf32>
    %mul3A_347 = arith.mulf %slice3A_323, %slice3A_326 : vector<1x1024xf32>
    %sub3A_348 = arith.subf %mul3A_346, %mul3A_347 : vector<1x1024xf32>
    %mul3A_349 = arith.mulf %slice3A_322, %slice3A_328 : vector<1x1024xf32>
    %mul3A_350 = arith.mulf %slice3A_324, %slice3A_326 : vector<1x1024xf32>
    %sub3A_351 = arith.subf %mul3A_349, %mul3A_350 : vector<1x1024xf32>
    %mul3A_352 = arith.mulf %slice3A_323, %slice3A_328 : vector<1x1024xf32>
    %mul3A_353 = arith.mulf %slice3A_324, %slice3A_327 : vector<1x1024xf32>
    %sub3A_354 = arith.subf %mul3A_352, %mul3A_353 : vector<1x1024xf32>
    %mul3A_355 = arith.mulf %slice3A_329, %slice3A_334 : vector<1x1024xf32>
    %mul3A_356 = arith.mulf %slice3A_330, %slice3A_333 : vector<1x1024xf32>
    %sub3A_357 = arith.subf %mul3A_355, %mul3A_356 : vector<1x1024xf32>
    %mul3A_358 = arith.mulf %slice3A_329, %slice3A_335 : vector<1x1024xf32>
    %mul3A_359 = arith.mulf %slice3A_331, %slice3A_333 : vector<1x1024xf32>
    %sub3A_360 = arith.subf %mul3A_358, %mul3A_359 : vector<1x1024xf32>
    %mul3A_361 = arith.mulf %slice3A_329, %slice3A_336 : vector<1x1024xf32>
    %mul3A_362 = arith.mulf %slice3A_332, %slice3A_333 : vector<1x1024xf32>
    %sub3A_363 = arith.subf %mul3A_361, %mul3A_362 : vector<1x1024xf32>
    %mul3A_364 = arith.mulf %slice3A_330, %slice3A_335 : vector<1x1024xf32>
    %mul3A_365 = arith.mulf %slice3A_331, %slice3A_334 : vector<1x1024xf32>
    %sub3A_366 = arith.subf %mul3A_364, %mul3A_365 : vector<1x1024xf32>
    %mul3A_367 = arith.mulf %slice3A_330, %slice3A_336 : vector<1x1024xf32>
    %mul3A_368 = arith.mulf %slice3A_332, %slice3A_334 : vector<1x1024xf32>
    %sub3A_369 = arith.subf %mul3A_367, %mul3A_368 : vector<1x1024xf32>
    %mul3A_370 = arith.mulf %slice3A_331, %slice3A_336 : vector<1x1024xf32>
    %mul3A_371 = arith.mulf %slice3A_332, %slice3A_335 : vector<1x1024xf32>
    %sub3A_372 = arith.subf %mul3A_370, %mul3A_371 : vector<1x1024xf32>
    %mul3A_373 = arith.mulf %sub3A_339, %sub3A_372 : vector<1x1024xf32>
    %mul3A_374 = arith.mulf %sub3A_342, %sub3A_369 : vector<1x1024xf32>
    %sub3A_375 = arith.subf %mul3A_373, %mul3A_374 : vector<1x1024xf32>
    %mul3A_376 = arith.mulf %sub3A_345, %sub3A_366 : vector<1x1024xf32>
    %add3A_377 = arith.addf %sub3A_375, %mul3A_376 : vector<1x1024xf32>
    %mul3A_378 = arith.mulf %sub3A_348, %sub3A_363 : vector<1x1024xf32>
    %add3A_379 = arith.addf %add3A_377, %mul3A_378 : vector<1x1024xf32>
    %mul3A_380 = arith.mulf %sub3A_351, %sub3A_360 : vector<1x1024xf32>
    %sub3A_381 = arith.subf %add3A_379, %mul3A_380 : vector<1x1024xf32>
    %mul3A_382 = arith.mulf %sub3A_354, %sub3A_357 : vector<1x1024xf32>
    %add3A_383 = arith.addf %sub3A_381, %mul3A_382 : vector<1x1024xf32>
    %convert_element_type3A_384 = arith.truncf %transpose3A : vector<16x1024xf32> to vector<16x1024xbf16>
    %convert_element_type3A_385 = arith.extf %convert_element_type3A_384 : vector<16x1024xbf16> to vector<16x1024xf32>
    %slice3A_386 = vector.extract_strided_slice %convert_element_type3A_385 {offsets = [0, 0], sizes = [1, 1024], strides = [1, 1]} : vector<16x1024xf32> to vector<1x1024xf32>
    %slice3A_387 = vector.extract_strided_slice %convert_element_type3A_385 {offsets = [1, 0], sizes = [1, 1024], strides = [1, 1]} : vector<16x1024xf32> to vector<1x1024xf32>
    %slice3A_388 = vector.extract_strided_slice %convert_element_type3A_385 {offsets = [2, 0], sizes = [1, 1024], strides = [1, 1]} : vector<16x1024xf32> to vector<1x1024xf32>
    %slice3A_389 = vector.extract_strided_slice %convert_element_type3A_385 {offsets = [3, 0], sizes = [1, 1024], strides = [1, 1]} : vector<16x1024xf32> to vector<1x1024xf32>
    %slice3A_390 = vector.extract_strided_slice %convert_element_type3A_385 {offsets = [4, 0], sizes = [1, 1024], strides = [1, 1]} : vector<16x1024xf32> to vector<1x1024xf32>
    %slice3A_391 = vector.extract_strided_slice %convert_element_type3A_385 {offsets = [5, 0], sizes = [1, 1024], strides = [1, 1]} : vector<16x1024xf32> to vector<1x1024xf32>
    %slice3A_392 = vector.extract_strided_slice %convert_element_type3A_385 {offsets = [6, 0], sizes = [1, 1024], strides = [1, 1]} : vector<16x1024xf32> to vector<1x1024xf32>
    %slice3A_393 = vector.extract_strided_slice %convert_element_type3A_385 {offsets = [7, 0], sizes = [1, 1024], strides = [1, 1]} : vector<16x1024xf32> to vector<1x1024xf32>
    %slice3A_394 = vector.extract_strided_slice %convert_element_type3A_385 {offsets = [8, 0], sizes = [1, 1024], strides = [1, 1]} : vector<16x1024xf32> to vector<1x1024xf32>
    %slice3A_395 = vector.extract_strided_slice %convert_element_type3A_385 {offsets = [9, 0], sizes = [1, 1024], strides = [1, 1]} : vector<16x1024xf32> to vector<1x1024xf32>
    %slice3A_396 = vector.extract_strided_slice %convert_element_type3A_385 {offsets = [10, 0], sizes = [1, 1024], strides = [1, 1]} : vector<16x1024xf32> to vector<1x1024xf32>
    %slice3A_397 = vector.extract_strided_slice %convert_element_type3A_385 {offsets = [11, 0], sizes = [1, 1024], strides = [1, 1]} : vector<16x1024xf32> to vector<1x1024xf32>
    %slice3A_398 = vector.extract_strided_slice %convert_element_type3A_385 {offsets = [12, 0], sizes = [1, 1024], strides = [1, 1]} : vector<16x1024xf32> to vector<1x1024xf32>
    %slice3A_399 = vector.extract_strided_slice %convert_element_type3A_385 {offsets = [13, 0], sizes = [1, 1024], strides = [1, 1]} : vector<16x1024xf32> to vector<1x1024xf32>
    %slice3A_400 = vector.extract_strided_slice %convert_element_type3A_385 {offsets = [14, 0], sizes = [1, 1024], strides = [1, 1]} : vector<16x1024xf32> to vector<1x1024xf32>
    %slice3A_401 = vector.extract_strided_slice %convert_element_type3A_385 {offsets = [15, 0], sizes = [1, 1024], strides = [1, 1]} : vector<16x1024xf32> to vector<1x1024xf32>
    %transpose3A_402 = tpu.transpose %slice3A_269, [1, 0] : vector<1024x4xf32> -> vector<4x1024xf32>
    %convert_element_type3A_403 = arith.truncf %transpose3A_402 : vector<4x1024xf32> to vector<4x1024xbf16>
    %convert_element_type3A_404 = arith.extf %convert_element_type3A_403 : vector<4x1024xbf16> to vector<4x1024xf32>
    %slice3A_405 = vector.extract_strided_slice %convert_element_type3A_404 {offsets = [0, 0], sizes = [1, 1024], strides = [1, 1]} : vector<4x1024xf32> to vector<1x1024xf32>
    %slice3A_406 = vector.extract_strided_slice %convert_element_type3A_404 {offsets = [1, 0], sizes = [1, 1024], strides = [1, 1]} : vector<4x1024xf32> to vector<1x1024xf32>
    %slice3A_407 = vector.extract_strided_slice %convert_element_type3A_404 {offsets = [2, 0], sizes = [1, 1024], strides = [1, 1]} : vector<4x1024xf32> to vector<1x1024xf32>
    %slice3A_408 = vector.extract_strided_slice %convert_element_type3A_404 {offsets = [3, 0], sizes = [1, 1024], strides = [1, 1]} : vector<4x1024xf32> to vector<1x1024xf32>
    %mul3A_409 = arith.mulf %slice3A_386, %slice3A_405 : vector<1x1024xf32>
    %add3A_410 = arith.constant 0.000000e+00 : f32
    %add3A_411 = vector.broadcast %add3A_410 : f32 to vector<1x1024xf32>
    %add3A_412 = arith.addf %add3A_411, %mul3A_409 : vector<1x1024xf32>
    %mul3A_413 = arith.mulf %slice3A_387, %slice3A_406 : vector<1x1024xf32>
    %add3A_414 = arith.addf %add3A_412, %mul3A_413 : vector<1x1024xf32>
    %mul3A_415 = arith.mulf %slice3A_388, %slice3A_407 : vector<1x1024xf32>
    %add3A_416 = arith.addf %add3A_414, %mul3A_415 : vector<1x1024xf32>
    %mul3A_417 = arith.mulf %slice3A_389, %slice3A_408 : vector<1x1024xf32>
    %add3A_418 = arith.addf %add3A_416, %mul3A_417 : vector<1x1024xf32>
    %mul3A_419 = arith.mulf %slice3A_390, %slice3A_405 : vector<1x1024xf32>
    %add3A_420 = arith.constant 0.000000e+00 : f32
    %add3A_421 = vector.broadcast %add3A_420 : f32 to vector<1x1024xf32>
    %add3A_422 = arith.addf %add3A_421, %mul3A_419 : vector<1x1024xf32>
    %mul3A_423 = arith.mulf %slice3A_391, %slice3A_406 : vector<1x1024xf32>
    %add3A_424 = arith.addf %add3A_422, %mul3A_423 : vector<1x1024xf32>
    %mul3A_425 = arith.mulf %slice3A_392, %slice3A_407 : vector<1x1024xf32>
    %add3A_426 = arith.addf %add3A_424, %mul3A_425 : vector<1x1024xf32>
    %mul3A_427 = arith.mulf %slice3A_393, %slice3A_408 : vector<1x1024xf32>
    %add3A_428 = arith.addf %add3A_426, %mul3A_427 : vector<1x1024xf32>
    %mul3A_429 = arith.mulf %slice3A_394, %slice3A_405 : vector<1x1024xf32>
    %add3A_430 = arith.constant 0.000000e+00 : f32
    %add3A_431 = vector.broadcast %add3A_430 : f32 to vector<1x1024xf32>
    %add3A_432 = arith.addf %add3A_431, %mul3A_429 : vector<1x1024xf32>
    %mul3A_433 = arith.mulf %slice3A_395, %slice3A_406 : vector<1x1024xf32>
    %add3A_434 = arith.addf %add3A_432, %mul3A_433 : vector<1x1024xf32>
    %mul3A_435 = arith.mulf %slice3A_396, %slice3A_407 : vector<1x1024xf32>
    %add3A_436 = arith.addf %add3A_434, %mul3A_435 : vector<1x1024xf32>
    %mul3A_437 = arith.mulf %slice3A_397, %slice3A_408 : vector<1x1024xf32>
    %add3A_438 = arith.addf %add3A_436, %mul3A_437 : vector<1x1024xf32>
    %mul3A_439 = arith.mulf %slice3A_398, %slice3A_405 : vector<1x1024xf32>
    %add3A_440 = arith.constant 0.000000e+00 : f32
    %add3A_441 = vector.broadcast %add3A_440 : f32 to vector<1x1024xf32>
    %add3A_442 = arith.addf %add3A_441, %mul3A_439 : vector<1x1024xf32>
    %mul3A_443 = arith.mulf %slice3A_399, %slice3A_406 : vector<1x1024xf32>
    %add3A_444 = arith.addf %add3A_442, %mul3A_443 : vector<1x1024xf32>
    %mul3A_445 = arith.mulf %slice3A_400, %slice3A_407 : vector<1x1024xf32>
    %add3A_446 = arith.addf %add3A_444, %mul3A_445 : vector<1x1024xf32>
    %mul3A_447 = arith.mulf %slice3A_401, %slice3A_408 : vector<1x1024xf32>
    %add3A_448 = arith.addf %add3A_446, %mul3A_447 : vector<1x1024xf32>
    %iota3A_449 = tpu.iota {dimensions = array<i32: 1>} : vector<1x1024xi32>
    %add3A_450 = vector.broadcast %mul3A_0 : i32 to vector<1x1024xi32>
    %add3A_451 = arith.addi %iota3A_449, %add3A_450 : vector<1x1024xi32>
    %broadcast_in_dim3A_452 = arith.constant 0 : i32
    %broadcast_in_dim3A_453 = vector.broadcast %broadcast_in_dim3A_452 : i32 to vector<1x1024xi32>
    %get3A_454 = arith.constant 1 : index
    %get3A_455 = memref.load %arg1[%get3A_454] : memref<17xi32, #tpu.memory_space<smem>>
    %sub3A_456 = arith.constant 1 : i32
    %sub3A_457 = arith.subi %get3A_455, %sub3A_456 : i32
    %ge3A_458 = vector.broadcast %sub3A_457 : i32 to vector<1x1024xi32>
    %ge3A_459 = arith.cmpi sge, %add3A_451, %ge3A_458 : vector<1x1024xi32>
    %convert_element_type3A_460 = arith.extui %ge3A_459 : vector<1x1024xi1> to vector<1x1024xi32>
    %add3A_461 = arith.addi %broadcast_in_dim3A_453, %convert_element_type3A_460 : vector<1x1024xi32>
    %get3A_462 = arith.constant 2 : index
    %get3A_463 = memref.load %arg1[%get3A_462] : memref<17xi32, #tpu.memory_space<smem>>
    %sub3A_464 = arith.constant 2 : i32
    %sub3A_465 = arith.subi %get3A_463, %sub3A_464 : i32
    %ge3A_466 = vector.broadcast %sub3A_465 : i32 to vector<1x1024xi32>
    %ge3A_467 = arith.cmpi sge, %add3A_451, %ge3A_466 : vector<1x1024xi32>
    %convert_element_type3A_468 = arith.extui %ge3A_467 : vector<1x1024xi1> to vector<1x1024xi32>
    %add3A_469 = arith.addi %add3A_461, %convert_element_type3A_468 : vector<1x1024xi32>
    %get3A_470 = arith.constant 3 : index
    %get3A_471 = memref.load %arg1[%get3A_470] : memref<17xi32, #tpu.memory_space<smem>>
    %sub3A_472 = arith.constant 3 : i32
    %sub3A_473 = arith.subi %get3A_471, %sub3A_472 : i32
    %ge3A_474 = vector.broadcast %sub3A_473 : i32 to vector<1x1024xi32>
    %ge3A_475 = arith.cmpi sge, %add3A_451, %ge3A_474 : vector<1x1024xi32>
    %convert_element_type3A_476 = arith.extui %ge3A_475 : vector<1x1024xi1> to vector<1x1024xi32>
    %add3A_477 = arith.addi %add3A_469, %convert_element_type3A_476 : vector<1x1024xi32>
    %get3A_478 = arith.constant 4 : index
    %get3A_479 = memref.load %arg1[%get3A_478] : memref<17xi32, #tpu.memory_space<smem>>
    %sub3A_480 = arith.constant 4 : i32
    %sub3A_481 = arith.subi %get3A_479, %sub3A_480 : i32
    %ge3A_482 = vector.broadcast %sub3A_481 : i32 to vector<1x1024xi32>
    %ge3A_483 = arith.cmpi sge, %add3A_451, %ge3A_482 : vector<1x1024xi32>
    %convert_element_type3A_484 = arith.extui %ge3A_483 : vector<1x1024xi1> to vector<1x1024xi32>
    %add3A_485 = arith.addi %add3A_477, %convert_element_type3A_484 : vector<1x1024xi32>
    %get3A_486 = arith.constant 5 : index
    %get3A_487 = memref.load %arg1[%get3A_486] : memref<17xi32, #tpu.memory_space<smem>>
    %sub3A_488 = arith.constant 5 : i32
    %sub3A_489 = arith.subi %get3A_487, %sub3A_488 : i32
    %ge3A_490 = vector.broadcast %sub3A_489 : i32 to vector<1x1024xi32>
    %ge3A_491 = arith.cmpi sge, %add3A_451, %ge3A_490 : vector<1x1024xi32>
    %convert_element_type3A_492 = arith.extui %ge3A_491 : vector<1x1024xi1> to vector<1x1024xi32>
    %add3A_493 = arith.addi %add3A_485, %convert_element_type3A_492 : vector<1x1024xi32>
    %get3A_494 = arith.constant 6 : index
    %get3A_495 = memref.load %arg1[%get3A_494] : memref<17xi32, #tpu.memory_space<smem>>
    %sub3A_496 = arith.constant 6 : i32
    %sub3A_497 = arith.subi %get3A_495, %sub3A_496 : i32
    %ge3A_498 = vector.broadcast %sub3A_497 : i32 to vector<1x1024xi32>
    %ge3A_499 = arith.cmpi sge, %add3A_451, %ge3A_498 : vector<1x1024xi32>
    %convert_element_type3A_500 = arith.extui %ge3A_499 : vector<1x1024xi1> to vector<1x1024xi32>
    %add3A_501 = arith.addi %add3A_493, %convert_element_type3A_500 : vector<1x1024xi32>
    %get3A_502 = arith.constant 7 : index
    %get3A_503 = memref.load %arg1[%get3A_502] : memref<17xi32, #tpu.memory_space<smem>>
    %sub3A_504 = arith.constant 7 : i32
    %sub3A_505 = arith.subi %get3A_503, %sub3A_504 : i32
    %ge3A_506 = vector.broadcast %sub3A_505 : i32 to vector<1x1024xi32>
    %ge3A_507 = arith.cmpi sge, %add3A_451, %ge3A_506 : vector<1x1024xi32>
    %convert_element_type3A_508 = arith.extui %ge3A_507 : vector<1x1024xi1> to vector<1x1024xi32>
    %add3A_509 = arith.addi %add3A_501, %convert_element_type3A_508 : vector<1x1024xi32>
    %get3A_510 = arith.constant 8 : index
    %get3A_511 = memref.load %arg1[%get3A_510] : memref<17xi32, #tpu.memory_space<smem>>
    %sub3A_512 = arith.constant 8 : i32
    %sub3A_513 = arith.subi %get3A_511, %sub3A_512 : i32
    %ge3A_514 = vector.broadcast %sub3A_513 : i32 to vector<1x1024xi32>
    %ge3A_515 = arith.cmpi sge, %add3A_451, %ge3A_514 : vector<1x1024xi32>
    %convert_element_type3A_516 = arith.extui %ge3A_515 : vector<1x1024xi1> to vector<1x1024xi32>
    %add3A_517 = arith.addi %add3A_509, %convert_element_type3A_516 : vector<1x1024xi32>
    %get3A_518 = arith.constant 9 : index
    %get3A_519 = memref.load %arg1[%get3A_518] : memref<17xi32, #tpu.memory_space<smem>>
    %sub3A_520 = arith.constant 9 : i32
    %sub3A_521 = arith.subi %get3A_519, %sub3A_520 : i32
    %ge3A_522 = vector.broadcast %sub3A_521 : i32 to vector<1x1024xi32>
    %ge3A_523 = arith.cmpi sge, %add3A_451, %ge3A_522 : vector<1x1024xi32>
    %convert_element_type3A_524 = arith.extui %ge3A_523 : vector<1x1024xi1> to vector<1x1024xi32>
    %add3A_525 = arith.addi %add3A_517, %convert_element_type3A_524 : vector<1x1024xi32>
    %get3A_526 = arith.constant 10 : index
    %get3A_527 = memref.load %arg1[%get3A_526] : memref<17xi32, #tpu.memory_space<smem>>
    %sub3A_528 = arith.constant 10 : i32
    %sub3A_529 = arith.subi %get3A_527, %sub3A_528 : i32
    %ge3A_530 = vector.broadcast %sub3A_529 : i32 to vector<1x1024xi32>
    %ge3A_531 = arith.cmpi sge, %add3A_451, %ge3A_530 : vector<1x1024xi32>
    %convert_element_type3A_532 = arith.extui %ge3A_531 : vector<1x1024xi1> to vector<1x1024xi32>
    %add3A_533 = arith.addi %add3A_525, %convert_element_type3A_532 : vector<1x1024xi32>
    %get3A_534 = arith.constant 11 : index
    %get3A_535 = memref.load %arg1[%get3A_534] : memref<17xi32, #tpu.memory_space<smem>>
    %sub3A_536 = arith.constant 11 : i32
    %sub3A_537 = arith.subi %get3A_535, %sub3A_536 : i32
    %ge3A_538 = vector.broadcast %sub3A_537 : i32 to vector<1x1024xi32>
    %ge3A_539 = arith.cmpi sge, %add3A_451, %ge3A_538 : vector<1x1024xi32>
    %convert_element_type3A_540 = arith.extui %ge3A_539 : vector<1x1024xi1> to vector<1x1024xi32>
    %add3A_541 = arith.addi %add3A_533, %convert_element_type3A_540 : vector<1x1024xi32>
    %get3A_542 = arith.constant 12 : index
    %get3A_543 = memref.load %arg1[%get3A_542] : memref<17xi32, #tpu.memory_space<smem>>
    %sub3A_544 = arith.constant 12 : i32
    %sub3A_545 = arith.subi %get3A_543, %sub3A_544 : i32
    %ge3A_546 = vector.broadcast %sub3A_545 : i32 to vector<1x1024xi32>
    %ge3A_547 = arith.cmpi sge, %add3A_451, %ge3A_546 : vector<1x1024xi32>
    %convert_element_type3A_548 = arith.extui %ge3A_547 : vector<1x1024xi1> to vector<1x1024xi32>
    %add3A_549 = arith.addi %add3A_541, %convert_element_type3A_548 : vector<1x1024xi32>
    %get3A_550 = arith.constant 13 : index
    %get3A_551 = memref.load %arg1[%get3A_550] : memref<17xi32, #tpu.memory_space<smem>>
    %sub3A_552 = arith.constant 13 : i32
    %sub3A_553 = arith.subi %get3A_551, %sub3A_552 : i32
    %ge3A_554 = vector.broadcast %sub3A_553 : i32 to vector<1x1024xi32>
    %ge3A_555 = arith.cmpi sge, %add3A_451, %ge3A_554 : vector<1x1024xi32>
    %convert_element_type3A_556 = arith.extui %ge3A_555 : vector<1x1024xi1> to vector<1x1024xi32>
    %add3A_557 = arith.addi %add3A_549, %convert_element_type3A_556 : vector<1x1024xi32>
    %get3A_558 = arith.constant 14 : index
    %get3A_559 = memref.load %arg1[%get3A_558] : memref<17xi32, #tpu.memory_space<smem>>
    %sub3A_560 = arith.constant 14 : i32
    %sub3A_561 = arith.subi %get3A_559, %sub3A_560 : i32
    %ge3A_562 = vector.broadcast %sub3A_561 : i32 to vector<1x1024xi32>
    %ge3A_563 = arith.cmpi sge, %add3A_451, %ge3A_562 : vector<1x1024xi32>
    %convert_element_type3A_564 = arith.extui %ge3A_563 : vector<1x1024xi1> to vector<1x1024xi32>
    %add3A_565 = arith.addi %add3A_557, %convert_element_type3A_564 : vector<1x1024xi32>
    %get3A_566 = arith.constant 15 : index
    %get3A_567 = memref.load %arg1[%get3A_566] : memref<17xi32, #tpu.memory_space<smem>>
    %sub3A_568 = arith.constant 15 : i32
    %sub3A_569 = arith.subi %get3A_567, %sub3A_568 : i32
    %ge3A_570 = vector.broadcast %sub3A_569 : i32 to vector<1x1024xi32>
    %ge3A_571 = arith.cmpi sge, %add3A_451, %ge3A_570 : vector<1x1024xi32>
    %convert_element_type3A_572 = arith.extui %ge3A_571 : vector<1x1024xi1> to vector<1x1024xi32>
    %add3A_573 = arith.addi %add3A_565, %convert_element_type3A_572 : vector<1x1024xi32>
    %iota3A_574 = tpu.iota {dimensions = array<i32: 0>} : vector<16x1024xi32>
    %eq3A_575 = vector.broadcast %add3A_573 : vector<1x1024xi32> to vector<16x1024xi32>
    %eq3A_576 = arith.cmpi eq, %eq3A_575, %iota3A_574 : vector<16x1024xi32>
    %convert_element_type3A_577 = arith.extui %eq3A_576 : vector<16x1024xi1> to vector<16x1024xi32>
    %convert_element_type3A_578 = arith.sitofp %convert_element_type3A_577 : vector<16x1024xi32> to vector<16x1024xf32>
    %get3A_579 = arith.constant 0 : index
    %get3A_580 = arith.constant 0 : index
    %get3A_581 = arith.constant 0 : index
    %get3A_582 = vector.load %arg4[%get3A_579, %get3A_580, %get3A_581] : memref<32x4x16xf32, #tpu.memory_space<vmem>>, vector<1x4x16xf32>
    %get3A_583 = vector.shape_cast %get3A_582 : vector<1x4x16xf32> to vector<4x16xf32>
    %get3A_584 = arith.constant 1 : index
    %get3A_585 = arith.constant 0 : index
    %get3A_586 = arith.constant 0 : index
    %get3A_587 = vector.load %arg4[%get3A_584, %get3A_585, %get3A_586] : memref<32x4x16xf32, #tpu.memory_space<vmem>>, vector<1x4x16xf32>
    %get3A_588 = vector.shape_cast %get3A_587 : vector<1x4x16xf32> to vector<4x16xf32>
    %add3A_589 = arith.addf %get3A_583, %get3A_588 : vector<4x16xf32>
    %get3A_590 = arith.constant 2 : index
    %get3A_591 = arith.constant 0 : index
    %get3A_592 = arith.constant 0 : index
    %get3A_593 = vector.load %arg4[%get3A_590, %get3A_591, %get3A_592] : memref<32x4x16xf32, #tpu.memory_space<vmem>>, vector<1x4x16xf32>
    %get3A_594 = vector.shape_cast %get3A_593 : vector<1x4x16xf32> to vector<4x16xf32>
    %add3A_595 = arith.addf %add3A_589, %get3A_594 : vector<4x16xf32>
    %get3A_596 = arith.constant 3 : index
    %get3A_597 = arith.constant 0 : index
    %get3A_598 = arith.constant 0 : index
    %get3A_599 = vector.load %arg4[%get3A_596, %get3A_597, %get3A_598] : memref<32x4x16xf32, #tpu.memory_space<vmem>>, vector<1x4x16xf32>
    %get3A_600 = vector.shape_cast %get3A_599 : vector<1x4x16xf32> to vector<4x16xf32>
    %add3A_601 = arith.addf %add3A_595, %get3A_600 : vector<4x16xf32>
    %get3A_602 = arith.constant 4 : index
    %get3A_603 = arith.constant 0 : index
    %get3A_604 = arith.constant 0 : index
    %get3A_605 = vector.load %arg4[%get3A_602, %get3A_603, %get3A_604] : memref<32x4x16xf32, #tpu.memory_space<vmem>>, vector<1x4x16xf32>
    %get3A_606 = vector.shape_cast %get3A_605 : vector<1x4x16xf32> to vector<4x16xf32>
    %add3A_607 = arith.addf %add3A_601, %get3A_606 : vector<4x16xf32>
    %get3A_608 = arith.constant 5 : index
    %get3A_609 = arith.constant 0 : index
    %get3A_610 = arith.constant 0 : index
    %get3A_611 = vector.load %arg4[%get3A_608, %get3A_609, %get3A_610] : memref<32x4x16xf32, #tpu.memory_space<vmem>>, vector<1x4x16xf32>
    %get3A_612 = vector.shape_cast %get3A_611 : vector<1x4x16xf32> to vector<4x16xf32>
    %add3A_613 = arith.addf %add3A_607, %get3A_612 : vector<4x16xf32>
    %get3A_614 = arith.constant 6 : index
    %get3A_615 = arith.constant 0 : index
    %get3A_616 = arith.constant 0 : index
    %get3A_617 = vector.load %arg4[%get3A_614, %get3A_615, %get3A_616] : memref<32x4x16xf32, #tpu.memory_space<vmem>>, vector<1x4x16xf32>
    %get3A_618 = vector.shape_cast %get3A_617 : vector<1x4x16xf32> to vector<4x16xf32>
    %add3A_619 = arith.addf %add3A_613, %get3A_618 : vector<4x16xf32>
    %get3A_620 = arith.constant 7 : index
    %get3A_621 = arith.constant 0 : index
    %get3A_622 = arith.constant 0 : index
    %get3A_623 = vector.load %arg4[%get3A_620, %get3A_621, %get3A_622] : memref<32x4x16xf32, #tpu.memory_space<vmem>>, vector<1x4x16xf32>
    %get3A_624 = vector.shape_cast %get3A_623 : vector<1x4x16xf32> to vector<4x16xf32>
    %add3A_625 = arith.addf %add3A_619, %get3A_624 : vector<4x16xf32>
    %get3A_626 = arith.constant 8 : index
    %get3A_627 = arith.constant 0 : index
    %get3A_628 = arith.constant 0 : index
    %get3A_629 = vector.load %arg4[%get3A_626, %get3A_627, %get3A_628] : memref<32x4x16xf32, #tpu.memory_space<vmem>>, vector<1x4x16xf32>
    %get3A_630 = vector.shape_cast %get3A_629 : vector<1x4x16xf32> to vector<4x16xf32>
    %add3A_631 = arith.addf %add3A_625, %get3A_630 : vector<4x16xf32>
    %get3A_632 = arith.constant 9 : index
    %get3A_633 = arith.constant 0 : index
    %get3A_634 = arith.constant 0 : index
    %get3A_635 = vector.load %arg4[%get3A_632, %get3A_633, %get3A_634] : memref<32x4x16xf32, #tpu.memory_space<vmem>>, vector<1x4x16xf32>
    %get3A_636 = vector.shape_cast %get3A_635 : vector<1x4x16xf32> to vector<4x16xf32>
    %add3A_637 = arith.addf %add3A_631, %get3A_636 : vector<4x16xf32>
    %get3A_638 = arith.constant 10 : index
    %get3A_639 = arith.constant 0 : index
    %get3A_640 = arith.constant 0 : index
    %get3A_641 = vector.load %arg4[%get3A_638, %get3A_639, %get3A_640] : memref<32x4x16xf32, #tpu.memory_space<vmem>>, vector<1x4x16xf32>
    %get3A_642 = vector.shape_cast %get3A_641 : vector<1x4x16xf32> to vector<4x16xf32>
    %add3A_643 = arith.addf %add3A_637, %get3A_642 : vector<4x16xf32>
    %get3A_644 = arith.constant 11 : index
    %get3A_645 = arith.constant 0 : index
    %get3A_646 = arith.constant 0 : index
    %get3A_647 = vector.load %arg4[%get3A_644, %get3A_645, %get3A_646] : memref<32x4x16xf32, #tpu.memory_space<vmem>>, vector<1x4x16xf32>
    %get3A_648 = vector.shape_cast %get3A_647 : vector<1x4x16xf32> to vector<4x16xf32>
    %add3A_649 = arith.addf %add3A_643, %get3A_648 : vector<4x16xf32>
    %get3A_650 = arith.constant 12 : index
    %get3A_651 = arith.constant 0 : index
    %get3A_652 = arith.constant 0 : index
    %get3A_653 = vector.load %arg4[%get3A_650, %get3A_651, %get3A_652] : memref<32x4x16xf32, #tpu.memory_space<vmem>>, vector<1x4x16xf32>
    %get3A_654 = vector.shape_cast %get3A_653 : vector<1x4x16xf32> to vector<4x16xf32>
    %add3A_655 = arith.addf %add3A_649, %get3A_654 : vector<4x16xf32>
    %get3A_656 = arith.constant 13 : index
    %get3A_657 = arith.constant 0 : index
    %get3A_658 = arith.constant 0 : index
    %get3A_659 = vector.load %arg4[%get3A_656, %get3A_657, %get3A_658] : memref<32x4x16xf32, #tpu.memory_space<vmem>>, vector<1x4x16xf32>
    %get3A_660 = vector.shape_cast %get3A_659 : vector<1x4x16xf32> to vector<4x16xf32>
    %add3A_661 = arith.addf %add3A_655, %get3A_660 : vector<4x16xf32>
    %get3A_662 = arith.constant 14 : index
    %get3A_663 = arith.constant 0 : index
    %get3A_664 = arith.constant 0 : index
    %get3A_665 = vector.load %arg4[%get3A_662, %get3A_663, %get3A_664] : memref<32x4x16xf32, #tpu.memory_space<vmem>>, vector<1x4x16xf32>
    %get3A_666 = vector.shape_cast %get3A_665 : vector<1x4x16xf32> to vector<4x16xf32>
    %add3A_667 = arith.addf %add3A_661, %get3A_666 : vector<4x16xf32>
    %get3A_668 = arith.constant 15 : index
    %get3A_669 = arith.constant 0 : index
    %get3A_670 = arith.constant 0 : index
    %get3A_671 = vector.load %arg4[%get3A_668, %get3A_669, %get3A_670] : memref<32x4x16xf32, #tpu.memory_space<vmem>>, vector<1x4x16xf32>
    %get3A_672 = vector.shape_cast %get3A_671 : vector<1x4x16xf32> to vector<4x16xf32>
    %add3A_673 = arith.addf %add3A_667, %get3A_672 : vector<4x16xf32>
    %get3A_674 = arith.constant 16 : index
    %get3A_675 = arith.constant 0 : index
    %get3A_676 = arith.constant 0 : index
    %get3A_677 = vector.load %arg4[%get3A_674, %get3A_675, %get3A_676] : memref<32x4x16xf32, #tpu.memory_space<vmem>>, vector<1x4x16xf32>
    %get3A_678 = vector.shape_cast %get3A_677 : vector<1x4x16xf32> to vector<4x16xf32>
    %add3A_679 = arith.addf %add3A_673, %get3A_678 : vector<4x16xf32>
    %get3A_680 = arith.constant 17 : index
    %get3A_681 = arith.constant 0 : index
    %get3A_682 = arith.constant 0 : index
    %get3A_683 = vector.load %arg4[%get3A_680, %get3A_681, %get3A_682] : memref<32x4x16xf32, #tpu.memory_space<vmem>>, vector<1x4x16xf32>
    %get3A_684 = vector.shape_cast %get3A_683 : vector<1x4x16xf32> to vector<4x16xf32>
    %add3A_685 = arith.addf %add3A_679, %get3A_684 : vector<4x16xf32>
    %get3A_686 = arith.constant 18 : index
    %get3A_687 = arith.constant 0 : index
    %get3A_688 = arith.constant 0 : index
    %get3A_689 = vector.load %arg4[%get3A_686, %get3A_687, %get3A_688] : memref<32x4x16xf32, #tpu.memory_space<vmem>>, vector<1x4x16xf32>
    %get3A_690 = vector.shape_cast %get3A_689 : vector<1x4x16xf32> to vector<4x16xf32>
    %add3A_691 = arith.addf %add3A_685, %get3A_690 : vector<4x16xf32>
    %get3A_692 = arith.constant 19 : index
    %get3A_693 = arith.constant 0 : index
    %get3A_694 = arith.constant 0 : index
    %get3A_695 = vector.load %arg4[%get3A_692, %get3A_693, %get3A_694] : memref<32x4x16xf32, #tpu.memory_space<vmem>>, vector<1x4x16xf32>
    %get3A_696 = vector.shape_cast %get3A_695 : vector<1x4x16xf32> to vector<4x16xf32>
    %add3A_697 = arith.addf %add3A_691, %get3A_696 : vector<4x16xf32>
    %get3A_698 = arith.constant 20 : index
    %get3A_699 = arith.constant 0 : index
    %get3A_700 = arith.constant 0 : index
    %get3A_701 = vector.load %arg4[%get3A_698, %get3A_699, %get3A_700] : memref<32x4x16xf32, #tpu.memory_space<vmem>>, vector<1x4x16xf32>
    %get3A_702 = vector.shape_cast %get3A_701 : vector<1x4x16xf32> to vector<4x16xf32>
    %add3A_703 = arith.addf %add3A_697, %get3A_702 : vector<4x16xf32>
    %get3A_704 = arith.constant 21 : index
    %get3A_705 = arith.constant 0 : index
    %get3A_706 = arith.constant 0 : index
    %get3A_707 = vector.load %arg4[%get3A_704, %get3A_705, %get3A_706] : memref<32x4x16xf32, #tpu.memory_space<vmem>>, vector<1x4x16xf32>
    %get3A_708 = vector.shape_cast %get3A_707 : vector<1x4x16xf32> to vector<4x16xf32>
    %add3A_709 = arith.addf %add3A_703, %get3A_708 : vector<4x16xf32>
    %get3A_710 = arith.constant 22 : index
    %get3A_711 = arith.constant 0 : index
    %get3A_712 = arith.constant 0 : index
    %get3A_713 = vector.load %arg4[%get3A_710, %get3A_711, %get3A_712] : memref<32x4x16xf32, #tpu.memory_space<vmem>>, vector<1x4x16xf32>
    %get3A_714 = vector.shape_cast %get3A_713 : vector<1x4x16xf32> to vector<4x16xf32>
    %add3A_715 = arith.addf %add3A_709, %get3A_714 : vector<4x16xf32>
    %get3A_716 = arith.constant 23 : index
    %get3A_717 = arith.constant 0 : index
    %get3A_718 = arith.constant 0 : index
    %get3A_719 = vector.load %arg4[%get3A_716, %get3A_717, %get3A_718] : memref<32x4x16xf32, #tpu.memory_space<vmem>>, vector<1x4x16xf32>
    %get3A_720 = vector.shape_cast %get3A_719 : vector<1x4x16xf32> to vector<4x16xf32>
    %add3A_721 = arith.addf %add3A_715, %get3A_720 : vector<4x16xf32>
    %get3A_722 = arith.constant 24 : index
    %get3A_723 = arith.constant 0 : index
    %get3A_724 = arith.constant 0 : index
    %get3A_725 = vector.load %arg4[%get3A_722, %get3A_723, %get3A_724] : memref<32x4x16xf32, #tpu.memory_space<vmem>>, vector<1x4x16xf32>
    %get3A_726 = vector.shape_cast %get3A_725 : vector<1x4x16xf32> to vector<4x16xf32>
    %add3A_727 = arith.addf %add3A_721, %get3A_726 : vector<4x16xf32>
    %get3A_728 = arith.constant 25 : index
    %get3A_729 = arith.constant 0 : index
    %get3A_730 = arith.constant 0 : index
    %get3A_731 = vector.load %arg4[%get3A_728, %get3A_729, %get3A_730] : memref<32x4x16xf32, #tpu.memory_space<vmem>>, vector<1x4x16xf32>
    %get3A_732 = vector.shape_cast %get3A_731 : vector<1x4x16xf32> to vector<4x16xf32>
    %add3A_733 = arith.addf %add3A_727, %get3A_732 : vector<4x16xf32>
    %get3A_734 = arith.constant 26 : index
    %get3A_735 = arith.constant 0 : index
    %get3A_736 = arith.constant 0 : index
    %get3A_737 = vector.load %arg4[%get3A_734, %get3A_735, %get3A_736] : memref<32x4x16xf32, #tpu.memory_space<vmem>>, vector<1x4x16xf32>
    %get3A_738 = vector.shape_cast %get3A_737 : vector<1x4x16xf32> to vector<4x16xf32>
    %add3A_739 = arith.addf %add3A_733, %get3A_738 : vector<4x16xf32>
    %get3A_740 = arith.constant 27 : index
    %get3A_741 = arith.constant 0 : index
    %get3A_742 = arith.constant 0 : index
    %get3A_743 = vector.load %arg4[%get3A_740, %get3A_741, %get3A_742] : memref<32x4x16xf32, #tpu.memory_space<vmem>>, vector<1x4x16xf32>
    %get3A_744 = vector.shape_cast %get3A_743 : vector<1x4x16xf32> to vector<4x16xf32>
    %add3A_745 = arith.addf %add3A_739, %get3A_744 : vector<4x16xf32>
    %get3A_746 = arith.constant 28 : index
    %get3A_747 = arith.constant 0 : index
    %get3A_748 = arith.constant 0 : index
    %get3A_749 = vector.load %arg4[%get3A_746, %get3A_747, %get3A_748] : memref<32x4x16xf32, #tpu.memory_space<vmem>>, vector<1x4x16xf32>
    %get3A_750 = vector.shape_cast %get3A_749 : vector<1x4x16xf32> to vector<4x16xf32>
    %add3A_751 = arith.addf %add3A_745, %get3A_750 : vector<4x16xf32>
    %get3A_752 = arith.constant 29 : index
    %get3A_753 = arith.constant 0 : index
    %get3A_754 = arith.constant 0 : index
    %get3A_755 = vector.load %arg4[%get3A_752, %get3A_753, %get3A_754] : memref<32x4x16xf32, #tpu.memory_space<vmem>>, vector<1x4x16xf32>
    %get3A_756 = vector.shape_cast %get3A_755 : vector<1x4x16xf32> to vector<4x16xf32>
    %add3A_757 = arith.addf %add3A_751, %get3A_756 : vector<4x16xf32>
    %get3A_758 = arith.constant 30 : index
    %get3A_759 = arith.constant 0 : index
    %get3A_760 = arith.constant 0 : index
    %get3A_761 = vector.load %arg4[%get3A_758, %get3A_759, %get3A_760] : memref<32x4x16xf32, #tpu.memory_space<vmem>>, vector<1x4x16xf32>
    %get3A_762 = vector.shape_cast %get3A_761 : vector<1x4x16xf32> to vector<4x16xf32>
    %add3A_763 = arith.addf %add3A_757, %get3A_762 : vector<4x16xf32>
    %get3A_764 = arith.constant 31 : index
    %get3A_765 = arith.constant 0 : index
    %get3A_766 = arith.constant 0 : index
    %get3A_767 = vector.load %arg4[%get3A_764, %get3A_765, %get3A_766] : memref<32x4x16xf32, #tpu.memory_space<vmem>>, vector<1x4x16xf32>
    %get3A_768 = vector.shape_cast %get3A_767 : vector<1x4x16xf32> to vector<4x16xf32>
    %add3A_769 = arith.addf %add3A_763, %get3A_768 : vector<4x16xf32>
    %convert_element_type3A_770 = arith.truncf %add3A_769 : vector<4x16xf32> to vector<4x16xbf16>
    %convert_element_type3A_771 = arith.truncf %convert_element_type3A_578 : vector<16x1024xf32> to vector<16x1024xbf16>
    %dot_general3A_772 = arith.constant dense<0.000000e+00> : vector<4x1024xf32>
    %dot_general3A_773 = tpu.matmul %convert_element_type3A_770, %convert_element_type3A_771, %dot_general3A_772 {dimension_numbers = #tpu.dot_dimension_numbers<[1], [0], [0], [1], [0, 0, 1, 1], [], []>, transpose_lhs_hint = false} : vector<4x16xbf16>, vector<16x1024xbf16>, vector<4x1024xf32> -> vector<4x1024xf32>
    %slice3A_774 = vector.extract_strided_slice %dot_general3A_773 {offsets = [0, 0], sizes = [1, 1024], strides = [1, 1]} : vector<4x1024xf32> to vector<1x1024xf32>
    %slice3A_775 = vector.extract_strided_slice %dot_general3A_773 {offsets = [1, 0], sizes = [1, 1024], strides = [1, 1]} : vector<4x1024xf32> to vector<1x1024xf32>
    %slice3A_776 = vector.extract_strided_slice %dot_general3A_773 {offsets = [2, 0], sizes = [1, 1024], strides = [1, 1]} : vector<4x1024xf32> to vector<1x1024xf32>
    %slice3A_777 = vector.extract_strided_slice %dot_general3A_773 {offsets = [3, 0], sizes = [1, 1024], strides = [1, 1]} : vector<4x1024xf32> to vector<1x1024xf32>
    %mul3A_778 = arith.mulf %slice3A_386, %slice3A_774 : vector<1x1024xf32>
    %add3A_779 = arith.constant 0.000000e+00 : f32
    %add3A_780 = vector.broadcast %add3A_779 : f32 to vector<1x1024xf32>
    %add3A_781 = arith.addf %add3A_780, %mul3A_778 : vector<1x1024xf32>
    %mul3A_782 = arith.mulf %slice3A_387, %slice3A_775 : vector<1x1024xf32>
    %add3A_783 = arith.addf %add3A_781, %mul3A_782 : vector<1x1024xf32>
    %mul3A_784 = arith.mulf %slice3A_388, %slice3A_776 : vector<1x1024xf32>
    %add3A_785 = arith.addf %add3A_783, %mul3A_784 : vector<1x1024xf32>
    %mul3A_786 = arith.mulf %slice3A_389, %slice3A_777 : vector<1x1024xf32>
    %add3A_787 = arith.addf %add3A_785, %mul3A_786 : vector<1x1024xf32>
    %mul3A_788 = arith.mulf %slice3A_390, %slice3A_774 : vector<1x1024xf32>
    %add3A_789 = arith.constant 0.000000e+00 : f32
    %add3A_790 = vector.broadcast %add3A_789 : f32 to vector<1x1024xf32>
    %add3A_791 = arith.addf %add3A_790, %mul3A_788 : vector<1x1024xf32>
    %mul3A_792 = arith.mulf %slice3A_391, %slice3A_775 : vector<1x1024xf32>
    %add3A_793 = arith.addf %add3A_791, %mul3A_792 : vector<1x1024xf32>
    %mul3A_794 = arith.mulf %slice3A_392, %slice3A_776 : vector<1x1024xf32>
    %add3A_795 = arith.addf %add3A_793, %mul3A_794 : vector<1x1024xf32>
    %mul3A_796 = arith.mulf %slice3A_393, %slice3A_777 : vector<1x1024xf32>
    %add3A_797 = arith.addf %add3A_795, %mul3A_796 : vector<1x1024xf32>
    %mul3A_798 = arith.mulf %slice3A_394, %slice3A_774 : vector<1x1024xf32>
    %add3A_799 = arith.constant 0.000000e+00 : f32
    %add3A_800 = vector.broadcast %add3A_799 : f32 to vector<1x1024xf32>
    %add3A_801 = arith.addf %add3A_800, %mul3A_798 : vector<1x1024xf32>
    %mul3A_802 = arith.mulf %slice3A_395, %slice3A_775 : vector<1x1024xf32>
    %add3A_803 = arith.addf %add3A_801, %mul3A_802 : vector<1x1024xf32>
    %mul3A_804 = arith.mulf %slice3A_396, %slice3A_776 : vector<1x1024xf32>
    %add3A_805 = arith.addf %add3A_803, %mul3A_804 : vector<1x1024xf32>
    %mul3A_806 = arith.mulf %slice3A_397, %slice3A_777 : vector<1x1024xf32>
    %add3A_807 = arith.addf %add3A_805, %mul3A_806 : vector<1x1024xf32>
    %mul3A_808 = arith.mulf %slice3A_398, %slice3A_774 : vector<1x1024xf32>
    %add3A_809 = arith.constant 0.000000e+00 : f32
    %add3A_810 = vector.broadcast %add3A_809 : f32 to vector<1x1024xf32>
    %add3A_811 = arith.addf %add3A_810, %mul3A_808 : vector<1x1024xf32>
    %mul3A_812 = arith.mulf %slice3A_399, %slice3A_775 : vector<1x1024xf32>
    %add3A_813 = arith.addf %add3A_811, %mul3A_812 : vector<1x1024xf32>
    %mul3A_814 = arith.mulf %slice3A_400, %slice3A_776 : vector<1x1024xf32>
    %add3A_815 = arith.addf %add3A_813, %mul3A_814 : vector<1x1024xf32>
    %mul3A_816 = arith.mulf %slice3A_401, %slice3A_777 : vector<1x1024xf32>
    %add3A_817 = arith.addf %add3A_815, %mul3A_816 : vector<1x1024xf32>
    %mul3A_818 = arith.mulf %add3A_428, %add3A_428 : vector<1x1024xf32>
    %mul3A_819 = arith.mulf %add3A_438, %add3A_438 : vector<1x1024xf32>
    %add3A_820 = arith.addf %mul3A_818, %mul3A_819 : vector<1x1024xf32>
    %add3A_821 = arith.constant 9.99999997E-7 : f32
    %add3A_822 = vector.broadcast %add3A_821 : f32 to vector<1x1024xf32>
    %add3A_823 = arith.addf %add3A_820, %add3A_822 : vector<1x1024xf32>
    %sqrt3A = math.sqrt %add3A_823 : vector<1x1024xf32>
    %mul3A_824 = arith.mulf %add3A_797, %add3A_797 : vector<1x1024xf32>
    %mul3A_825 = arith.mulf %add3A_807, %add3A_807 : vector<1x1024xf32>
    %add3A_826 = arith.addf %mul3A_824, %mul3A_825 : vector<1x1024xf32>
    %add3A_827 = arith.constant 9.99999997E-7 : f32
    %add3A_828 = vector.broadcast %add3A_827 : f32 to vector<1x1024xf32>
    %add3A_829 = arith.addf %add3A_826, %add3A_828 : vector<1x1024xf32>
    %sqrt3A_830 = math.sqrt %add3A_829 : vector<1x1024xf32>
    %mul3A_831 = arith.mulf %add3A_428, %add3A_428 : vector<1x1024xf32>
    %mul3A_832 = arith.mulf %add3A_438, %add3A_438 : vector<1x1024xf32>
    %add3A_833 = arith.addf %mul3A_831, %mul3A_832 : vector<1x1024xf32>
    %mul3A_834 = arith.mulf %add3A_448, %add3A_448 : vector<1x1024xf32>
    %add3A_835 = arith.addf %add3A_833, %mul3A_834 : vector<1x1024xf32>
    %add3A_836 = arith.constant 9.99999997E-7 : f32
    %add3A_837 = vector.broadcast %add3A_836 : f32 to vector<1x1024xf32>
    %add3A_838 = arith.addf %add3A_835, %add3A_837 : vector<1x1024xf32>
    %sqrt3A_839 = math.sqrt %add3A_838 : vector<1x1024xf32>
    %mul3A_840 = arith.mulf %add3A_797, %add3A_797 : vector<1x1024xf32>
    %mul3A_841 = arith.mulf %add3A_807, %add3A_807 : vector<1x1024xf32>
    %add3A_842 = arith.addf %mul3A_840, %mul3A_841 : vector<1x1024xf32>
    %mul3A_843 = arith.mulf %add3A_817, %add3A_817 : vector<1x1024xf32>
    %add3A_844 = arith.addf %add3A_842, %mul3A_843 : vector<1x1024xf32>
    %add3A_845 = arith.constant 9.99999997E-7 : f32
    %add3A_846 = vector.broadcast %add3A_845 : f32 to vector<1x1024xf32>
    %add3A_847 = arith.addf %add3A_844, %add3A_846 : vector<1x1024xf32>
    %sqrt3A_848 = math.sqrt %add3A_847 : vector<1x1024xf32>
    %add3A_849 = arith.addf %sqrt3A_839, %add3A_448 : vector<1x1024xf32>
    %sub3A_850 = arith.subf %sqrt3A_839, %add3A_448 : vector<1x1024xf32>
    %max3A = arith.constant 9.99999997E-7 : f32
    %max3A_851 = vector.broadcast %max3A : f32 to vector<1x1024xf32>
    %max3A_852 = arith.maximumf %sub3A_850, %max3A_851 : vector<1x1024xf32>
    %div3A = arith.divf %add3A_849, %max3A_852 : vector<1x1024xf32>
    %max3A_853 = arith.constant 9.99999997E-7 : f32
    %max3A_854 = vector.broadcast %max3A_853 : f32 to vector<1x1024xf32>
    %max3A_855 = arith.maximumf %div3A, %max3A_854 : vector<1x1024xf32>
    %log3A = math.log %max3A_855 : vector<1x1024xf32>
    %mul3A_856 = arith.constant 5.000000e-01 : f32
    %mul3A_857 = vector.broadcast %mul3A_856 : f32 to vector<1x1024xf32>
    %mul3A_858 = arith.mulf %mul3A_857, %log3A : vector<1x1024xf32>
    %add3A_859 = arith.addf %sqrt3A_848, %add3A_817 : vector<1x1024xf32>
    %sub3A_860 = arith.subf %sqrt3A_848, %add3A_817 : vector<1x1024xf32>
    %max3A_861 = arith.constant 9.99999997E-7 : f32
    %max3A_862 = vector.broadcast %max3A_861 : f32 to vector<1x1024xf32>
    %max3A_863 = arith.maximumf %sub3A_860, %max3A_862 : vector<1x1024xf32>
    %div3A_864 = arith.divf %add3A_859, %max3A_863 : vector<1x1024xf32>
    %max3A_865 = arith.constant 9.99999997E-7 : f32
    %max3A_866 = vector.broadcast %max3A_865 : f32 to vector<1x1024xf32>
    %max3A_867 = arith.maximumf %div3A_864, %max3A_866 : vector<1x1024xf32>
    %log3A_868 = math.log %max3A_867 : vector<1x1024xf32>
    %mul3A_869 = arith.constant 5.000000e-01 : f32
    %mul3A_870 = vector.broadcast %mul3A_869 : f32 to vector<1x1024xf32>
    %mul3A_871 = arith.mulf %mul3A_870, %log3A_868 : vector<1x1024xf32>
    %abs3A = math.absf %add3A_428 : vector<1x1024xf32>
    %abs3A_872 = math.absf %add3A_438 : vector<1x1024xf32>
    %max3A_873 = arith.maximumf %abs3A, %abs3A_872 : vector<1x1024xf32>
    %min3A = arith.minimumf %abs3A, %abs3A_872 : vector<1x1024xf32>
    %max3A_874 = arith.constant 1.000000e-30 : f32
    %max3A_875 = vector.broadcast %max3A_874 : f32 to vector<1x1024xf32>
    %max3A_876 = arith.maximumf %max3A_873, %max3A_875 : vector<1x1024xf32>
    %div3A_877 = arith.divf %min3A, %max3A_876 : vector<1x1024xf32>
    %gt3A = arith.constant 0.414213568 : f32
    %gt3A_878 = vector.broadcast %gt3A : f32 to vector<1x1024xf32>
    %gt3A_879 = arith.cmpf ogt, %div3A_877, %gt3A_878 : vector<1x1024xf32>
    %sub3A_880 = arith.constant 1.000000e+00 : f32
    %sub3A_881 = vector.broadcast %sub3A_880 : f32 to vector<1x1024xf32>
    %sub3A_882 = arith.subf %div3A_877, %sub3A_881 : vector<1x1024xf32>
    %add3A_883 = arith.constant 1.000000e+00 : f32
    %add3A_884 = vector.broadcast %add3A_883 : f32 to vector<1x1024xf32>
    %add3A_885 = arith.addf %div3A_877, %add3A_884 : vector<1x1024xf32>
    %div3A_886 = arith.divf %sub3A_882, %add3A_885 : vector<1x1024xf32>
    %select_n3A_887 = arith.select %gt3A_879, %div3A_886, %div3A_877 : vector<1x1024xi1>, vector<1x1024xf32>
    %mul3A_888 = arith.mulf %select_n3A_887, %select_n3A_887 : vector<1x1024xf32>
    %mul3A_889 = arith.constant 0.0805374458 : f32
    %mul3A_890 = vector.broadcast %mul3A_889 : f32 to vector<1x1024xf32>
    %mul3A_891 = arith.mulf %mul3A_890, %mul3A_888 : vector<1x1024xf32>
    %sub3A_892 = arith.constant 0.138776854 : f32
    %sub3A_893 = vector.broadcast %sub3A_892 : f32 to vector<1x1024xf32>
    %sub3A_894 = arith.subf %mul3A_891, %sub3A_893 : vector<1x1024xf32>
    %mul3A_895 = arith.mulf %sub3A_894, %mul3A_888 : vector<1x1024xf32>
    %add3A_896 = arith.constant 0.199777111 : f32
    %add3A_897 = vector.broadcast %add3A_896 : f32 to vector<1x1024xf32>
    %add3A_898 = arith.addf %mul3A_895, %add3A_897 : vector<1x1024xf32>
    %mul3A_899 = arith.mulf %add3A_898, %mul3A_888 : vector<1x1024xf32>
    %sub3A_900 = arith.constant 0.333329499 : f32
    %sub3A_901 = vector.broadcast %sub3A_900 : f32 to vector<1x1024xf32>
    %sub3A_902 = arith.subf %mul3A_899, %sub3A_901 : vector<1x1024xf32>
    %mul3A_903 = arith.mulf %sub3A_902, %mul3A_888 : vector<1x1024xf32>
    %mul3A_904 = arith.mulf %mul3A_903, %select_n3A_887 : vector<1x1024xf32>
    %add3A_905 = arith.addf %mul3A_904, %select_n3A_887 : vector<1x1024xf32>
    %add3A_906 = arith.constant 0.785398185 : f32
    %add3A_907 = vector.broadcast %add3A_906 : f32 to vector<1x1024xf32>
    %add3A_908 = arith.addf %add3A_907, %add3A_905 : vector<1x1024xf32>
    %select_n3A_909 = arith.select %gt3A_879, %add3A_908, %add3A_905 : vector<1x1024xi1>, vector<1x1024xf32>
    %gt3A_910 = arith.cmpf ogt, %abs3A_872, %abs3A : vector<1x1024xf32>
    %sub3A_911 = arith.constant 1.57079637 : f32
    %sub3A_912 = vector.broadcast %sub3A_911 : f32 to vector<1x1024xf32>
    %sub3A_913 = arith.subf %sub3A_912, %select_n3A_909 : vector<1x1024xf32>
    %select_n3A_914 = arith.select %gt3A_910, %sub3A_913, %select_n3A_909 : vector<1x1024xi1>, vector<1x1024xf32>
    %lt3A_915 = arith.constant 0.000000e+00 : f32
    %lt3A_916 = vector.broadcast %lt3A_915 : f32 to vector<1x1024xf32>
    %lt3A_917 = arith.cmpf olt, %add3A_428, %lt3A_916 : vector<1x1024xf32>
    %sub3A_918 = arith.constant 3.14159274 : f32
    %sub3A_919 = vector.broadcast %sub3A_918 : f32 to vector<1x1024xf32>
    %sub3A_920 = arith.subf %sub3A_919, %select_n3A_914 : vector<1x1024xf32>
    %select_n3A_921 = arith.select %lt3A_917, %sub3A_920, %select_n3A_914 : vector<1x1024xi1>, vector<1x1024xf32>
    %lt3A_922 = arith.constant 0.000000e+00 : f32
    %lt3A_923 = vector.broadcast %lt3A_922 : f32 to vector<1x1024xf32>
    %lt3A_924 = arith.cmpf olt, %add3A_438, %lt3A_923 : vector<1x1024xf32>
    %neg3A = arith.constant 0.000000e+00 : f32
    %neg3A_925 = vector.broadcast %neg3A : f32 to vector<1x1024xf32>
    %neg3A_926 = arith.subf %neg3A_925, %select_n3A_921 : vector<1x1024xf32>
    %select_n3A_927 = arith.select %lt3A_924, %neg3A_926, %select_n3A_921 : vector<1x1024xi1>, vector<1x1024xf32>
    %abs3A_928 = math.absf %add3A_797 : vector<1x1024xf32>
    %abs3A_929 = math.absf %add3A_807 : vector<1x1024xf32>
    %max3A_930 = arith.maximumf %abs3A_928, %abs3A_929 : vector<1x1024xf32>
    %min3A_931 = arith.minimumf %abs3A_928, %abs3A_929 : vector<1x1024xf32>
    %max3A_932 = arith.constant 1.000000e-30 : f32
    %max3A_933 = vector.broadcast %max3A_932 : f32 to vector<1x1024xf32>
    %max3A_934 = arith.maximumf %max3A_930, %max3A_933 : vector<1x1024xf32>
    %div3A_935 = arith.divf %min3A_931, %max3A_934 : vector<1x1024xf32>
    %gt3A_936 = arith.constant 0.414213568 : f32
    %gt3A_937 = vector.broadcast %gt3A_936 : f32 to vector<1x1024xf32>
    %gt3A_938 = arith.cmpf ogt, %div3A_935, %gt3A_937 : vector<1x1024xf32>
    %sub3A_939 = arith.constant 1.000000e+00 : f32
    %sub3A_940 = vector.broadcast %sub3A_939 : f32 to vector<1x1024xf32>
    %sub3A_941 = arith.subf %div3A_935, %sub3A_940 : vector<1x1024xf32>
    %add3A_942 = arith.constant 1.000000e+00 : f32
    %add3A_943 = vector.broadcast %add3A_942 : f32 to vector<1x1024xf32>
    %add3A_944 = arith.addf %div3A_935, %add3A_943 : vector<1x1024xf32>
    %div3A_945 = arith.divf %sub3A_941, %add3A_944 : vector<1x1024xf32>
    %select_n3A_946 = arith.select %gt3A_938, %div3A_945, %div3A_935 : vector<1x1024xi1>, vector<1x1024xf32>
    %mul3A_947 = arith.mulf %select_n3A_946, %select_n3A_946 : vector<1x1024xf32>
    %mul3A_948 = arith.constant 0.0805374458 : f32
    %mul3A_949 = vector.broadcast %mul3A_948 : f32 to vector<1x1024xf32>
    %mul3A_950 = arith.mulf %mul3A_949, %mul3A_947 : vector<1x1024xf32>
    %sub3A_951 = arith.constant 0.138776854 : f32
    %sub3A_952 = vector.broadcast %sub3A_951 : f32 to vector<1x1024xf32>
    %sub3A_953 = arith.subf %mul3A_950, %sub3A_952 : vector<1x1024xf32>
    %mul3A_954 = arith.mulf %sub3A_953, %mul3A_947 : vector<1x1024xf32>
    %add3A_955 = arith.constant 0.199777111 : f32
    %add3A_956 = vector.broadcast %add3A_955 : f32 to vector<1x1024xf32>
    %add3A_957 = arith.addf %mul3A_954, %add3A_956 : vector<1x1024xf32>
    %mul3A_958 = arith.mulf %add3A_957, %mul3A_947 : vector<1x1024xf32>
    %sub3A_959 = arith.constant 0.333329499 : f32
    %sub3A_960 = vector.broadcast %sub3A_959 : f32 to vector<1x1024xf32>
    %sub3A_961 = arith.subf %mul3A_958, %sub3A_960 : vector<1x1024xf32>
    %mul3A_962 = arith.mulf %sub3A_961, %mul3A_947 : vector<1x1024xf32>
    %mul3A_963 = arith.mulf %mul3A_962, %select_n3A_946 : vector<1x1024xf32>
    %add3A_964 = arith.addf %mul3A_963, %select_n3A_946 : vector<1x1024xf32>
    %add3A_965 = arith.constant 0.785398185 : f32
    %add3A_966 = vector.broadcast %add3A_965 : f32 to vector<1x1024xf32>
    %add3A_967 = arith.addf %add3A_966, %add3A_964 : vector<1x1024xf32>
    %select_n3A_968 = arith.select %gt3A_938, %add3A_967, %add3A_964 : vector<1x1024xi1>, vector<1x1024xf32>
    %gt3A_969 = arith.cmpf ogt, %abs3A_929, %abs3A_928 : vector<1x1024xf32>
    %sub3A_970 = arith.constant 1.57079637 : f32
    %sub3A_971 = vector.broadcast %sub3A_970 : f32 to vector<1x1024xf32>
    %sub3A_972 = arith.subf %sub3A_971, %select_n3A_968 : vector<1x1024xf32>
    %select_n3A_973 = arith.select %gt3A_969, %sub3A_972, %select_n3A_968 : vector<1x1024xi1>, vector<1x1024xf32>
    %lt3A_974 = arith.constant 0.000000e+00 : f32
    %lt3A_975 = vector.broadcast %lt3A_974 : f32 to vector<1x1024xf32>
    %lt3A_976 = arith.cmpf olt, %add3A_797, %lt3A_975 : vector<1x1024xf32>
    %sub3A_977 = arith.constant 3.14159274 : f32
    %sub3A_978 = vector.broadcast %sub3A_977 : f32 to vector<1x1024xf32>
    %sub3A_979 = arith.subf %sub3A_978, %select_n3A_973 : vector<1x1024xf32>
    %select_n3A_980 = arith.select %lt3A_976, %sub3A_979, %select_n3A_973 : vector<1x1024xi1>, vector<1x1024xf32>
    %lt3A_981 = arith.constant 0.000000e+00 : f32
    %lt3A_982 = vector.broadcast %lt3A_981 : f32 to vector<1x1024xf32>
    %lt3A_983 = arith.cmpf olt, %add3A_807, %lt3A_982 : vector<1x1024xf32>
    %neg3A_984 = arith.constant 0.000000e+00 : f32
    %neg3A_985 = vector.broadcast %neg3A_984 : f32 to vector<1x1024xf32>
    %neg3A_986 = arith.subf %neg3A_985, %select_n3A_980 : vector<1x1024xf32>
    %select_n3A_987 = arith.select %lt3A_983, %neg3A_986, %select_n3A_980 : vector<1x1024xi1>, vector<1x1024xf32>
    %sub3A_988 = arith.subf %select_n3A_927, %select_n3A_987 : vector<1x1024xf32>
    %add3A_989 = arith.constant 3.14159274 : f32
    %add3A_990 = vector.broadcast %add3A_989 : f32 to vector<1x1024xf32>
    %add3A_991 = arith.addf %sub3A_988, %add3A_990 : vector<1x1024xf32>
    %div3A_992 = arith.constant 6.28318548 : f32
    %div3A_993 = vector.broadcast %div3A_992 : f32 to vector<1x1024xf32>
    %div3A_994 = arith.divf %add3A_991, %div3A_993 : vector<1x1024xf32>
    %floor3A = math.floor %div3A_994 : vector<1x1024xf32>
    %mul3A_995 = arith.constant 6.28318548 : f32
    %mul3A_996 = vector.broadcast %mul3A_995 : f32 to vector<1x1024xf32>
    %mul3A_997 = arith.mulf %floor3A, %mul3A_996 : vector<1x1024xf32>
    %sub3A_998 = arith.subf %add3A_991, %mul3A_997 : vector<1x1024xf32>
    %sub3A_999 = arith.constant 3.14159274 : f32
    %sub3A_1000 = vector.broadcast %sub3A_999 : f32 to vector<1x1024xf32>
    %sub3A_1001 = arith.subf %sub3A_998, %sub3A_1000 : vector<1x1024xf32>
    %sub3A_1002 = arith.subf %mul3A_858, %mul3A_871 : vector<1x1024xf32>
    %mul3A_1003 = arith.mulf %sub3A_1002, %sub3A_1002 : vector<1x1024xf32>
    %mul3A_1004 = arith.mulf %sub3A_1001, %sub3A_1001 : vector<1x1024xf32>
    %add3A_1005 = arith.addf %mul3A_1003, %mul3A_1004 : vector<1x1024xf32>
    %add3A_1006 = arith.constant 9.99999997E-7 : f32
    %add3A_1007 = vector.broadcast %add3A_1006 : f32 to vector<1x1024xf32>
    %add3A_1008 = arith.addf %add3A_1005, %add3A_1007 : vector<1x1024xf32>
    %sqrt3A_1009 = math.sqrt %add3A_1008 : vector<1x1024xf32>
    %max3A_1010 = arith.constant 9.99999997E-7 : f32
    %max3A_1011 = vector.broadcast %max3A_1010 : f32 to vector<1x1024xf32>
    %max3A_1012 = arith.maximumf %sqrt3A, %max3A_1011 : vector<1x1024xf32>
    %log3A_1013 = math.log %max3A_1012 : vector<1x1024xf32>
    %abs3A_1014 = math.absf %add3A_418 : vector<1x1024xf32>
    %max3A_1015 = arith.constant 9.99999997E-7 : f32
    %max3A_1016 = vector.broadcast %max3A_1015 : f32 to vector<1x1024xf32>
    %max3A_1017 = arith.maximumf %abs3A_1014, %max3A_1016 : vector<1x1024xf32>
    %log3A_1018 = math.log %max3A_1017 : vector<1x1024xf32>
    %max3A_1019 = arith.constant 9.99999997E-7 : f32
    %max3A_1020 = vector.broadcast %max3A_1019 : f32 to vector<1x1024xf32>
    %max3A_1021 = arith.maximumf %sqrt3A_830, %max3A_1020 : vector<1x1024xf32>
    %div3A_1022 = arith.divf %sqrt3A, %max3A_1021 : vector<1x1024xf32>
    %max3A_1023 = arith.constant 9.99999997E-7 : f32
    %max3A_1024 = vector.broadcast %max3A_1023 : f32 to vector<1x1024xf32>
    %max3A_1025 = arith.maximumf %div3A_1022, %max3A_1024 : vector<1x1024xf32>
    %log3A_1026 = math.log %max3A_1025 : vector<1x1024xf32>
    %abs3A_1027 = math.absf %add3A_418 : vector<1x1024xf32>
    %abs3A_1028 = math.absf %add3A_787 : vector<1x1024xf32>
    %max3A_1029 = arith.constant 9.99999997E-7 : f32
    %max3A_1030 = vector.broadcast %max3A_1029 : f32 to vector<1x1024xf32>
    %max3A_1031 = arith.maximumf %abs3A_1028, %max3A_1030 : vector<1x1024xf32>
    %div3A_1032 = arith.divf %abs3A_1027, %max3A_1031 : vector<1x1024xf32>
    %max3A_1033 = arith.constant 9.99999997E-7 : f32
    %max3A_1034 = vector.broadcast %max3A_1033 : f32 to vector<1x1024xf32>
    %max3A_1035 = arith.maximumf %div3A_1032, %max3A_1034 : vector<1x1024xf32>
    %log3A_1036 = math.log %max3A_1035 : vector<1x1024xf32>
    %swap3A = arith.constant 0 : index
    %swap3A_1037 = arith.constant 0 : index
    %swap3A_1038 = vector.load %arg9[%swap3A, %swap3A_1037] : memref<1024x15xf32, #tpu.memory_space<vmem>>, vector<1024x8xf32>
    tpu.vector_store %arg9[%swap3A, %swap3A_1037], %slice3A_270 {strides = array<i32>} : memref<1024x15xf32, #tpu.memory_space<vmem>>, vector<1024x8xf32>,
    %concatenate3A_1039 = tpu.concatenate %log3A_1013, %log3A_1018, %log3A_1026, %log3A_1036, %sub3A_1002, %sub3A_1001, %sqrt3A_1009 in 0 : vector<1x1024xf32>, vector<1x1024xf32>, vector<1x1024xf32>, vector<1x1024xf32>, vector<1x1024xf32>, vector<1x1024xf32>, vector<1x1024xf32> -> vector<7x1024xf32>
    %transpose3A_1040 = tpu.transpose %concatenate3A_1039, [1, 0] : vector<7x1024xf32> -> vector<1024x7xf32>
    %swap3A_1041 = arith.constant 0 : index
    %swap3A_1042 = arith.constant 8 : index
    %swap3A_1043 = vector.load %arg9[%swap3A_1041, %swap3A_1042] : memref<1024x15xf32, #tpu.memory_space<vmem>>, vector<1024x7xf32>
    tpu.vector_store %arg9[%swap3A_1041, %swap3A_1042], %transpose3A_1040 {strides = array<i32>} : memref<1024x15xf32, #tpu.memory_space<vmem>>, vector<1024x7xf32>,
    %concatenate3A_1044 = tpu.concatenate %add3A_418, %add3A_428, %add3A_438, %add3A_448 in 0 : vector<1x1024xf32>, vector<1x1024xf32>, vector<1x1024xf32>, vector<1x1024xf32> -> vector<4x1024xf32>
    %transpose3A_1045 = tpu.transpose %concatenate3A_1044, [1, 0] : vector<4x1024xf32> -> vector<1024x4xf32>
    %swap3A_1046 = arith.constant 0 : index
    %swap3A_1047 = arith.constant 0 : index
    %swap3A_1048 = vector.load %arg10[%swap3A_1046, %swap3A_1047] : memref<1024x4xf32, #tpu.memory_space<vmem>>, vector<1024x4xf32>
    tpu.vector_store %arg10[%swap3A_1046, %swap3A_1047], %transpose3A_1045 {strides = array<i32>} : memref<1024x4xf32, #tpu.memory_space<vmem>>, vector<1024x4xf32>,
    %swap3A_1049 = arith.constant 0 : index
    %swap3A_1050 = arith.constant 0 : index
    %swap3A_1051 = vector.load %arg11[%swap3A_1049, %swap3A_1050] : memref<1024x16xf32, #tpu.memory_space<vmem>>, vector<1024x16xf32>
    tpu.vector_store %arg11[%swap3A_1049, %swap3A_1050], %add3A_320 {strides = array<i32>} : memref<1024x16xf32, #tpu.memory_space<vmem>>, vector<1024x16xf32>,
    %swap3A_1052 = arith.constant 0 : index
    %swap3A_1053 = arith.constant 0 : index
    %swap3A_1054 = vector.load %arg12[%swap3A_1052, %swap3A_1053] : memref<1x1024xf32, #tpu.memory_space<vmem>>, vector<1x1024xf32>
    tpu.vector_store %arg12[%swap3A_1052, %swap3A_1053], %add3A_383 {strides = array<i32>} : memref<1x1024xf32, #tpu.memory_space<vmem>>, vector<1x1024xf32>,
    %swap3A_1055 = arith.constant 0 : index
    %swap3A_1056 = arith.constant 0 : index
    %swap3A_1057 = vector.load %arg13[%swap3A_1055, %swap3A_1056] : memref<1x1024xi32, #tpu.memory_space<vmem>>, vector<1x1024xi32>
    tpu.vector_store %arg13[%swap3A_1055, %swap3A_1056], %add3A_573 {strides = array<i32>} : memref<1x1024xi32, #tpu.memory_space<vmem>>, vector<1x1024xi32>,
    return
  }
  func.func @transform_0(%arg0: i32) -> i32 {
    %c0_i32 = arith.constant 0 : i32
    %c0_i32_0 = arith.constant 0 : i32
    return %c0_i32 : i32
  }
  func.func @transform_1(%arg0: i32) -> (i32, i32) {
    %c0_i32 = arith.constant 0 : i32
    %c0_i32_0 = arith.constant 0 : i32
    return %arg0, %c0_i32 : i32, i32
  }
  func.func @transform_2(%arg0: i32) -> (i32, i32) {
    %add3A = arith.constant 1 : i32
    %add3A_0 = arith.addi %arg0, %add3A : i32
    %min3A = arith.constant 31 : i32
    %min3A_1 = arith.minsi %add3A_0, %min3A : i32
    %c0_i32 = arith.constant 0 : i32
    %c0_i32_2 = arith.constant 0 : i32
    return %min3A_1, %c0_i32 : i32, i32
  }
  func.func @transform_3(%arg0: i32) -> (i32, i32, i32) {
    %c0_i32 = arith.constant 0 : i32
    %c0_i32_0 = arith.constant 0 : i32
    %c0_i32_1 = arith.constant 0 : i32
    %c0_i32_2 = arith.constant 0 : i32
    return %c0_i32, %c0_i32_0, %c0_i32_1 : i32, i32, i32
  }
  func.func @transform_4(%arg0: i32) -> (i32, i32) {
    %c0_i32 = arith.constant 0 : i32
    %c0_i32_0 = arith.constant 0 : i32
    %c0_i32_1 = arith.constant 0 : i32
    return %c0_i32, %c0_i32_0 : i32, i32
  }
  func.func @transform_5(%arg0: i32) -> (i32, i32) {
    %c0_i32 = arith.constant 0 : i32
    %c0_i32_0 = arith.constant 0 : i32
    %c0_i32_1 = arith.constant 0 : i32
    return %c0_i32, %c0_i32_0 : i32, i32
  }
  func.func @transform_6(%arg0: i32) -> (i32, i32) {
    %c0_i32 = arith.constant 0 : i32
    %c0_i32_0 = arith.constant 0 : i32
    %c0_i32_1 = arith.constant 0 : i32
    return %c0_i32, %c0_i32_0 : i32, i32
  }
  func.func @transform_7(%arg0: i32) -> (i32, i32) {
    %c0_i32 = arith.constant 0 : i32
    %c0_i32_0 = arith.constant 0 : i32
    %c0_i32_1 = arith.constant 0 : i32
    return %c0_i32, %c0_i32_0 : i32, i32
  }
  func.func @transform_8(%arg0: i32) -> (i32, i32) {
    %c0_i32 = arith.constant 0 : i32
    %c0_i32_0 = arith.constant 0 : i32
    return %arg0, %c0_i32 : i32, i32
  }
  func.func @transform_9(%arg0: i32) -> (i32, i32) {
    %c0_i32 = arith.constant 0 : i32
    %c0_i32_0 = arith.constant 0 : i32
    return %arg0, %c0_i32 : i32, i32
  }
  func.func @transform_10(%arg0: i32) -> (i32, i32) {
    %c0_i32 = arith.constant 0 : i32
    %c0_i32_0 = arith.constant 0 : i32
    return %arg0, %c0_i32 : i32, i32
  }
  func.func @transform_11(%arg0: i32) -> (i32, i32) {
    %c0_i32 = arith.constant 0 : i32
    %c0_i32_0 = arith.constant 0 : i32
    return %c0_i32, %arg0 : i32, i32
  }
  func.func @transform_12(%arg0: i32) -> (i32, i32) {
    %c0_i32 = arith.constant 0 : i32
    %c0_i32_0 = arith.constant 0 : i32
    return %c0_i32, %arg0 : i32, i32
  }
}

</mosaic_0001>

<sc_bundles>
// kernel: kernel.4.cloned.1.call-start
scs
__scs_entry_jumppad:
0x0: {  	(pc) =	sbr.rel $0x88, $3  }
0x1: {  	(tag) =	ssettag $0x0;
	lr =	simm.s32 $0x1  }
0x2: {  	[smem:$0x3F97] =	sst lr;
	_ =	strace $0xD0000000  }
0x3: {  	_ = 	snop  }
0x4: {  	_ = 	snop  }
0x5: {  	_ = 	snop  }
0x6: {  	_ = 	snop  }
0x7: {  	_ = 	snop  }
__scs_overlays_trampoline_lowered:
0x8: {  	[smem:$0x3FA6] =	sst s0  }
0x9: {  	[smem:$0x3FA7] =	sst s1  }
0xa: {  	[smem:$0x3FA8] =	sst s2  }
0xb: {  	[smem:$0x3FA9] =	sst s3  }
0xc: {  	[smem:$0x3FAA] =	sst s4  }
0xd: {  	[smem:$0x3FAB] =	sst s5  }
0xe: {  	[smem:$0x3FAC] =	sst s6  }
0xf: {  	[smem:$0x3FAD] =	sst s7  }
0x10: {  	[smem:$0x3FAE] =	sst s8  }
0x11: {  	[smem:$0x3FAF] =	sst s9;
	s0 =	simm.s32 @!p0 $0x0  }
0x12: {  	s1 =	sld [smem:$0x3F95];
	s0 =	simm.s32 @p0 $0x1  }
0x13: {  	[smem:$0x3FB0] =	sst s0;
	s0 =	simm.s32 @!p1 $0x0  }
0x14: {  	s2 =	sld [smem:$0x3F94];
	s0 =	simm.s32 @p1 $0x1  }
0x15: {  	[smem:$0x3FB1] =	sst s0;
	s0 =	simm.s32 @!p2 $0x0  }
0x16: {  	s3 =	sld [smem:$0x3FDB];
	s0 =	simm.s32 @p2 $0x1  }
0x17: {  	s4 =	simm.s32 $0x1BF5;
	[smem:$0x3FB3] =	sst s0  }
0x18: {  	s0 =	sld [smem:$0x3F96];
	_ =	swait.ge [sflag:s4], $0x0  }
0x19: {  	s7 =	sld [smem:$0x3F97]  }
0x1a: {  	s8 =	sadd.s32 $0xFFFFE003, lr  }
0x1b: {  	s9 =	sadd.s32 $0xFFFFFEF7, lr;
	s5 =	simm.s32 $0xFFFFFFFF;
	p2 =	slt.u32 s8, $0xFFFFF086  }
0x1c: {  	p1 =	slt.u32 s9, $0xF7A;
	s5 =	simm.s32 @!p2 $0x0  }
0x1d: {  	s5 =	simm.s32 @p1 $0x1;
	p0 =	seq.s32 s7, s2  }
0x1e: {  	s7 =	smul.u32 @!p0 $0xF7A, s2;
	p2 =	seq.s32 @!p0 s5, $0x0  }
0x1f: {  	s9 =	smul.u32 $0xF7A, s1;
	s8 =	simm.s32 @!p0 $0x1BF5;
	p2 =	por !p2, p0  }
0x20: {  	[sflag:s8] =	ssyncset.s32 @!p0 $0xFFFFF086;
	s6 =	sadd.s32 @!p0 s3, s7;
	s7 =	simm.s32 @!p0 $0x108  }
0x21: {  	s3 =	sadd.s32 s3, s9;
	s6 =	sadd.s32 @!p0 $0x88, s6;
	s7 =	simm.s32 @p2 $0x1082  }
0x22: {  	[simem:s7], [sflag:s8] =	dma.local @!p0 [hbm:s6], $0xF7A  }
0x23: {  	s9 =	sor.u32 $0xD0000000, s2;
	s6 =	simm.s32 $0x108;
	_ =	swait.ge @!p0 [sflag:s8], $0x0  }
0x24: {  	s3 =	sadd.s32 $0x88, s3;
	s6 =	simm.s32 @!p1 $0x1082;
	[sflag:s4] =	ssyncset.s32 $0xFFFFF086  }
0x25: {  	[simem:s6], [sflag:s4] =	dma.local [hbm:s3], $0xF7A  }
0x26: {  	[smem:$0x3F97] =	sst s1;
	(tag) =	ssettag s2;
	_ =	strace s9  }
0x27: {  	s1 =	sld [smem:$0x3FA7]  }
0x28: {  	s2 =	sld [smem:$0x3FA8]  }
0x29: {  	s4 =	sld [smem:$0x3FAA]  }
0x2a: {  	p0 =	seq.s32 s5, $0x0;
	s5 =	sld [smem:$0x3FAB]  }
0x2b: {  	s6 =	sld [smem:$0x3FAC]  }
0x2c: {  	s7 =	sld [smem:$0x3FAD]  }
0x2d: {  	s3 =	simm.s32 $0x108;
	s8 =	sld [smem:$0x3FAE]  }
0x2e: {  	s3 =	simm.s32 @!p0 $0x1082;
	s9 =	sld [smem:$0x3FAF]  }
0x2f: {  	lr =	sadd.s32 s0, s3;
	s0 =	sld [smem:$0x3FA6]  }
0x30: {  	s3 =	sld [smem:$0x3FA9]  }
0x31: {  	[smem:$0x3FB2] =	sst s10  }
0x32: {  	s10 =	sld [smem:$0x3FB0];
	_ =	sdelay $0x3  }
0x33: {  	p0 =	seq.s32 s10, $0x1;
	s10 =	sld [smem:$0x3FB2];
	_ =	sdelay $0x3  }
0x34: {  	[smem:$0x3FB2] =	sst s10  }
0x35: {  	s10 =	sld [smem:$0x3FB1];
	_ =	sdelay $0x3  }
0x36: {  	p1 =	seq.s32 s10, $0x1;
	s10 =	sld [smem:$0x3FB2];
	_ =	sdelay $0x3  }
0x37: {  	[smem:$0x3FB2] =	sst s10  }
0x38: {  	s10 =	sld [smem:$0x3FB3]  }
0x39: {  	_ = 	snop;
	(pc) =	sbr.ind lr, $3  }
0x3a: {  	_ = 	snop  }
0x3b: {  	_ = 	snop  }
0x3c: {  	p2 =	seq.s32 s10, $0x1;
	s10 =	sld [smem:$0x3FB2]  }
0x3d: {  	_ =	shalt  }
0x3e: {  	_ =	shalt  }
0x3f: {  	_ =	shalt  }
0x40: {  	_ =	shalt  }
0x41: {  	_ =	shalt  }
0x42: {  	_ =	shalt  }
0x43: {  	_ =	shalt  }
0x44: {  	_ =	shalt  }
0x45: {  	_ =	shalt  }
0x46: {  	_ =	shalt  }
0x47: {  	_ =	shalt  }
0x48: {  	_ =	shalt  }
0x49: {  	_ =	shalt  }
0x4a: {  	_ =	shalt  }
0x4b: {  	_ =	shalt  }
0x4c: {  	_ =	shalt  }
0x4d: {  	_ =	shalt  }
0x4e: {  	_ =	shalt  }
0x4f: {  	_ =	shalt  }
0x50: {  	_ =	shalt  }
0x51: {  	_ =	shalt  }
0x52: {  	_ =	shalt  }
0x53: {  	_ =	shalt  }
0x54: {  	_ =	shalt  }
0x55: {  	_ =	shalt  }
0x56: {  	_ =	shalt  }
0x57: {  	_ =	shalt  }
0x58: {  	_ =	shalt  }
0x59: {  	_ =	shalt  }
0x5a: {  	_ =	shalt  }
0x5b: {  	_ =	shalt  }
0x5c: {  	_ =	shalt  }
0x5d: {  	_ =	shalt  }
0x5e: {  	_ =	shalt  }
0x5f: {  	_ =	shalt  }
0x60: {  	_ =	shalt  }
0x61: {  	_ =	shalt  }
0x62: {  	_ =	shalt  }
0x63: {  	_ =	shalt  }
0x64: {  	_ =	shalt  }
0x65: {  	_ =	shalt  }
0x66: {  	_ =	shalt  }
0x67: {  	_ =	shalt  }
0x68: {  	_ =	shalt  }
0x69: {  	_ =	shalt  }
0x6a: {  	_ =	shalt  }
0x6b: {  	_ =	shalt  }
0x6c: {  	_ =	shalt  }
0x6d: {  	_ =	shalt  }
0x6e: {  	_ =	shalt  }
0x6f: {  	_ =	shalt  }
0x70: {  	_ =	shalt  }
0x71: {  	_ =	shalt  }
0x72: {  	_ =	shalt  }
0x73: {  	_ =	shalt  }
0x74: {  	_ =	shalt  }
0x75: {  	_ =	shalt  }
0x76: {  	_ =	shalt  }
0x77: {  	_ =	shalt  }
0x78: {  	_ =	shalt  }
0x79: {  	_ =	shalt  }
0x7a: {  	_ =	shalt  }
0x7b: {  	_ =	shalt  }
0x7c: {  	_ =	shalt  }
0x7d: {  	_ =	shalt  }
0x7e: {  	_ =	shalt  }
0x7f: {  	_ =	shalt  }
0x80: {  	_ =	shalt  }
0x81: {  	_ =	shalt  }
0x82: {  	_ =	shalt  }
0x83: {  	_ =	shalt  }
0x84: {  	_ =	shalt  }
0x85: {  	_ =	shalt  }
0x86: {  	_ =	shalt  }
0x87: {  	_ =	shalt  }
.Lfunc_end0:
.L_simem_size_0:
called_computation_lowered:
.L_overlay_start_0:
0x88: {  	s2 =	sld [smem:$0x3FD9]  }
0x89: {  	s3 =	sld [smem:$0x3FFE];
	_ =	sdelay $0x1  }
0x8a: {  	s1 =	srdreg.scid  }
0x8b: {  	s0 =	sand.u32 $0x1, s1  }
0x8c: {  	s15 =	sshll.u32 s0, $0xA;
	s2 =	sadd.s32 s3, s2  }
0x8d: {  	s2 =	sadd.s32 s2, s15  }
0x8e: {  	[smem:$0x3FBE] =	sst s2  }
0x8f: {  	_ = 	snop  }
0x90: {  	s2 =	sld [smem:$0x3FD0];
	_ =	sdelay $0x2  }
0x91: {  	s4 =	simm.s32 $0xA;
	s5 =	simm.s32 $0x10;
	s16 =	sld [smem:$0x3FC6]  }
0x92: {  	[smem:s5], [sflag:s4] =	dma.local [hbm:s2], $0x1  }
0x93: {  	_ =	swait.eq [sflag:s4], $0x1  }
0x94: {  	s17 =	sld [smem:$0x11];
	[sflag:s4] =	ssyncset.done $0x0  }
0x95: {  	s18 =	sld [smem:$0x13];
	[sflag:s4] =	ssyncadd.s32 $0xFFFFFFFF  }
0x96: {  	s19 =	sld [smem:$0x15];
	(tm) =	ssettm $0x1  }
0x97: {  	s6 =	sld [smem:$0x3FFB];
	_ =	sdelay $0x3  }
0x98: {  	_ =	strace s6  }
0x99: {  	s6 =	sld [smem:$0x3FFC];
	_ =	sdelay $0x3  }
0x9a: {  	_ =	strace s6  }
0x9b: {  	s6 =	sld [smem:$0x3FFD];
	_ =	sdelay $0x3  }
0x9c: {  	_ =	strace s6  }
0x9d: {  	_ =	strace $0x8FFFFFFF  }
0x9e: {  	s20 =	sld [smem:$0x3FDB];
	_ =	sdelay $0x1  }
0x9f: {  	s7 =	simm.s32 $_scs_section_size  }
0xa0: {  	s8 =	simm.s32 $_size__tile_overlayer_lowered;
	s9 =	simm.s32 $_tile_overlayer_lowered  }
0xa1: {  	s23 =	simm.s32 $0x1BFF;
	s22 =	sshll.u32 s9, $0x1;
	s6 =	sadd.s32 s7, s20  }
0xa2: {  	s10 =	simm.s32 $0x0;
	s21 =	sshll.u32 s8, $0x1;
	s8 =	sadd.s32 s22, s6  }
0xa3: {  	[timem:s10], [sflag:s23] =	dma.local [hbm:s8], s21  }
0xa4: {  	_ =	swait.ge [sflag:s23], s21  }
0xa5: {  	s7 =	ssub.s32 $0x0, s21;
	[sflag:s23] =	ssyncset.done $0x0  }
0xa6: {  	[sflag:s23] =	ssyncadd.s32 s7;
	_ =	sdelay $0x1  }
0xa7: {  	s24 =	simm.s32 $0x1B8B  }
0xa8: {  	_ =	swait.ge [sflag:s24], $0x1  }
0xa9: {  	[sflag:s24] =	ssyncset.done $0x0  }
0xaa: {  	s25 =	simm.s32 $0x1B8E;
	[sflag:s24] =	ssyncadd.s32 $0xFFFFFFFF  }
0xab: {  	s26 =	simm.s32 $execute0_lowered;
	[smem:$0x3FD2] =	sst s25  }
0xac: {  	s7 =	sshll.u32 s26, $0x1;
	_ =	strace $0x80000046;
	[dreg:$0x1] =	wrdreg $0xFFFFFFFF  }
0xad: {  	s28 =	simm.s32 $_size_execute0_lowered;
	s6 =	sadd.s32 s6, s7;
	[dreg:$0x0] =	wrdreg $0x0  }
0xae: {  	s7 =	sshll.u32 s28, $0x1;
	[dreg:$0x2] =	wrdreg s6  }
0xaf: {  	[dreg:$0x3] =	wrdreg s7  }
0xb0: {  	[dreg:$0x4] =	wrdreg $0xC0  }
0xb1: {  	_ =	task [dreg:s10], $0x5FFFF  }
0xb2: {  	[dreg:$0x1] =	wrdreg $0xFFFFFFFF  }
0xb3: {  	[dreg:$0x0] =	wrdreg $0x60  }
0xb4: {  	[dreg:$0x2] =	wrdreg s17  }
0xb5: {  	[dreg:$0x3] =	wrdreg s16  }
0xb6: {  	[dreg:$0x4] =	wrdreg s19  }
0xb7: {  	[dreg:$0x5] =	wrdreg s18  }
0xb8: {  	[dreg:$0x6] =	wrdreg $0x9  }
0xb9: {  	_ =	task.clear_ibuf [dreg:s10], $0x7FFFF;
	_ =	strace $0x90000046  }
0xba: {  	s29 =	simm.s32 $0x9;
	_ =	strace $0x80000048  }
0xbb: {  	_ =	swait.ge [sflag:s29], $0x1  }
0xbc: {  	[sflag:s29] =	ssyncadd.s32 $0xFFFFFFFF  }
0xbd: {  	_ =	strace $0x90000048  }
0xbe: {  	_ =	sfence  }
0xbf: {  	s30 =	sld [smem:$0x0];
	_ =	sdelay $0x2  }
0xc0: {  	s31 =	sshll.u32 s1, $0xD;
	s1 =	sshrl.u32 s1, $0x2  }
0xc1: {  	s3 =	sand.u32 $0x4000, s31;
	s1 =	sadd.s32 s1, s30  }
0xc2: {  	s0 =	sor.u32 s3, s0;
	s1 =	sshll.u32 s1, $0x11  }
0xc3: {  	s0 =	sor.u32 s1, s0  }
0xc4: {  	s0 =	sadd.s32 $0x8F2B, s0  }
0xc5: {  	[sflag:s0] =	ssyncadd.remote.s32 $0x1  }
0xc6: {  	_ =	sfence.sel $0xFFFF  }
0xc7: {  	[dreg:$0x0] =	wrdreg $0xFFFFFFFF;
	(pc) =	sbr.abs _section_cstart, $3  }
0xc8: {  	[dreg:$0x1] =	wrdreg $0xFFFFFFFF  }
0xc9: {  	_ =	task.clear_ibuf [dreg:s10], $0x2FFFF;
	_ =	strace $0x9FFFFFFF  }
0xca: {  	(tm) =	ssettm $0x7FFFFFFF  }
0xcb: {  	_ =	shalt  }
tec
execute0_lowered:
.L_overlay_start_1:
0x0: {  	(tag) =	ssettag $0x1  }
0x1: {  	s3 =	rddreg [dreg:$0x0]  }
0x2: {  	s4 =	rddreg [dreg:$0x1]  }
0x3: {  	s5 =	rddreg [dreg:$0x2]  }
0x4: {  	s6 =	rddreg [dreg:$0x3]  }
0x5: {  	s0 =	rddreg [dreg:$0x4]  }
0x6: {  	s7 =	srdreg.scid;
	s1 =	stileid.u32  }
0x7: {  	s2 =	simm.s32 $0x0;
	s11 =	simm.s32 $0x0;
	s7 =	sand.u32 $0x1, s7  }
0x8: {  	s8 =	sshll.u32 s1, $0x1;
	[smem:$0x7FF] =	sst s2;
	s9 =	ssub.s32 $0x2, s7  }
0x9: {  	s7 =	sor.u32 s7, s8;
	_ =	strace $0x80000047;
	s30 =	sshrl.u32 s9, $0x1  }
0xa: {  	v2 =	vlaneseq.u32;
	s10 =	sshll.u32 s7, $0x9;
	s31 =	sshll.u32 s7, $0x7;
	s7 =	sshll.u32 s7, $0x4  }
0xb: {  	v0 =	vmul.u32 $0x40, v2;
	s8 =	ssub.s32 s9, s30;
	s3 =	sadd.s32 s3, s10;
	s4 =	sadd.s32 s4, s31  }
0xc: {  	v1 =	vimm.f32 $0.0e+00;
	v2 =	vmul.u32 $0x4, v2;
	s5 =	sadd.s32 s5, s31;
	s6 =	sadd.s32 s6, s7;
	s9 =	simm.s32 $0x1800  }
0xd: {  	v3 =	vor.u32 $0x1, v0;
	v4 =	vor.u32 $0x2, v0;
	v5 =	vor.u32 $0x3, v0;
	s10 =	simm.s32 $0x1C00;
	s7 =	smax.u32 s8, $0x1;
	s8 =	simm.s32 $0x1  }
.LBB2_1:
0xe: {  	[tilespmem:s2], [sflag:$0x1] =	stream.linear.gather [hbm4b:s3+s2], $0x1000, $0x38;
	[tilespmem:$0x1C80] =	vst v63  }
0xf: {  	_ =	swait.ge [sflag:s8], $0x1000  }
0x10: {  	[sflag:s8] =	ssyncset.done $0x0  }
0x11: {  	s12 =	simm.s32 $0x1000;
	[sflag:s8] =	ssyncadd.s32 $0xFFFFF000  }
0x12: {  	[tilespmem:s12], [sflag:$0x1] =	stream.linear.gather [hbm4b:s4+s2], $0x400, $0x38;
	[tilespmem:$0x1C80] =	vst v63  }
0x13: {  	_ =	swait.ge [sflag:s8], $0x400  }
0x14: {  	[sflag:s8] =	ssyncset.done $0x0  }
0x15: {  	s13 =	simm.s32 $0x1400;
	[sflag:s8] =	ssyncadd.s32 $0xFFFFFC00  }
0x16: {  	[tilespmem:s13], [sflag:$0x1] =	stream.linear.gather [hbm4b:s5+s2], $0x400, $0x38;
	[tilespmem:$0x1C80] =	vst v63  }
0x17: {  	_ =	swait.ge [sflag:s8], $0x400  }
0x18: {  	[sflag:s8] =	ssyncset.done $0x0  }
0x19: {  	[sflag:s8] =	ssyncadd.s32 $0xFFFFFC00  }
0x1a: {  	[tilespmem:$0x1800] =	vst v1  }
0x1b: {  	[tilespmem:$0x1810] =	vst v1  }
0x1c: {  	[tilespmem:$0x1820] =	vst v1  }
0x1d: {  	[tilespmem:$0x1830] =	vst v1  }
0x1e: {  	[tilespmem:$0x1840] =	vst v1  }
0x1f: {  	[tilespmem:$0x1850] =	vst v1  }
0x20: {  	[tilespmem:$0x1860] =	vst v1  }
0x21: {  	[tilespmem:$0x1870] =	vst v1  }
0x22: {  	[tilespmem:$0x1880] =	vst v1  }
0x23: {  	[tilespmem:$0x1890] =	vst v1  }
0x24: {  	[tilespmem:$0x18A0] =	vst v1  }
0x25: {  	[tilespmem:$0x18B0] =	vst v1  }
0x26: {  	[tilespmem:$0x18C0] =	vst v1  }
0x27: {  	[tilespmem:$0x18D0] =	vst v1  }
0x28: {  	[tilespmem:$0x18E0] =	vst v1  }
0x29: {  	[tilespmem:$0x18F0] =	vst v1  }
0x2a: {  	[tilespmem:$0x1900] =	vst v1  }
0x2b: {  	[tilespmem:$0x1910] =	vst v1  }
0x2c: {  	[tilespmem:$0x1920] =	vst v1  }
0x2d: {  	[tilespmem:$0x1930] =	vst v1  }
0x2e: {  	[tilespmem:$0x1940] =	vst v1  }
0x2f: {  	[tilespmem:$0x1950] =	vst v1  }
0x30: {  	[tilespmem:$0x1960] =	vst v1  }
0x31: {  	[tilespmem:$0x1970] =	vst v1  }
0x32: {  	[tilespmem:$0x1980] =	vst v1  }
0x33: {  	[tilespmem:$0x1990] =	vst v1  }
0x34: {  	[tilespmem:$0x19A0] =	vst v1  }
0x35: {  	[tilespmem:$0x19B0] =	vst v1  }
0x36: {  	[tilespmem:$0x19C0] =	vst v1  }
0x37: {  	[tilespmem:$0x19D0] =	vst v1  }
0x38: {  	[tilespmem:$0x19E0] =	vst v1  }
0x39: {  	[tilespmem:$0x19F0] =	vst v1  }
0x3a: {  	[tilespmem:$0x1A00] =	vst v1  }
0x3b: {  	[tilespmem:$0x1A10] =	vst v1  }
0x3c: {  	[tilespmem:$0x1A20] =	vst v1  }
0x3d: {  	[tilespmem:$0x1A30] =	vst v1  }
0x3e: {  	[tilespmem:$0x1A40] =	vst v1  }
0x3f: {  	[tilespmem:$0x1A50] =	vst v1  }
0x40: {  	[tilespmem:$0x1A60] =	vst v1  }
0x41: {  	[tilespmem:$0x1A70] =	vst v1  }
0x42: {  	[tilespmem:$0x1A80] =	vst v1  }
0x43: {  	[tilespmem:$0x1A90] =	vst v1  }
0x44: {  	[tilespmem:$0x1AA0] =	vst v1  }
0x45: {  	[tilespmem:$0x1AB0] =	vst v1  }
0x46: {  	[tilespmem:$0x1AC0] =	vst v1  }
0x47: {  	[tilespmem:$0x1AD0] =	vst v1  }
0x48: {  	[tilespmem:$0x1AE0] =	vst v1  }
0x49: {  	[tilespmem:$0x1AF0] =	vst v1  }
0x4a: {  	[tilespmem:$0x1B00] =	vst v1  }
0x4b: {  	[tilespmem:$0x1B10] =	vst v1  }
0x4c: {  	[tilespmem:$0x1B20] =	vst v1  }
0x4d: {  	[tilespmem:$0x1B30] =	vst v1  }
0x4e: {  	[tilespmem:$0x1B40] =	vst v1  }
0x4f: {  	[tilespmem:$0x1B50] =	vst v1  }
0x50: {  	[tilespmem:$0x1B60] =	vst v1  }
0x51: {  	[tilespmem:$0x1B70] =	vst v1  }
0x52: {  	[tilespmem:$0x1B80] =	vst v1  }
0x53: {  	[tilespmem:$0x1B90] =	vst v1  }
0x54: {  	[tilespmem:$0x1BA0] =	vst v1  }
0x55: {  	[tilespmem:$0x1BB0] =	vst v1  }
0x56: {  	[tilespmem:$0x1BC0] =	vst v1  }
0x57: {  	[tilespmem:$0x1BD0] =	vst v1  }
0x58: {  	[tilespmem:$0x1BE0] =	vst v1  }
0x59: {  	[tilespmem:$0x1BF0] =	vst v1  }
0x5a: {  	v6 =	vmov s2;
	v7 =	vld [tilespmem:s13+$0x0]  }
0x5b: {  	v6 =	vshll.u32 v6, $0x2;
	v8 =	vld [tilespmem:s12+$0x0]  }
0x5c: {  	v6 =	vor.u32 v2, v6;
	_ =	sdelay $0x3  }
0x5d: {  	vm0 =	veq.s32 v7, $0x0;
	v7 =	vshll.u32 v8, $0x2  }
0x5e: {  	v8 =	vld.idx.msk [tilespmem:v6+s2+$0x0], $0xffff;
	v9 =	vadd.s32 v0, v7  }
0x5f: {  	v10 =	vor.u32 $0x1, v6;
	_ =	sdelay $0x3  }
0x60: {  	[tilespmem:v9+s9+$0x0] =	vst.idx.add.f32.msk vm0, v8  }
0x61: {  	v61 =	vadd.s32 v3, v7;
	v8 =	vld.idx.msk [tilespmem:v10+s2+$0x0], $0xffff  }
0x62: {  	v62 =	vor.u32 $0x2, v6;
	_ =	sdelay $0x3  }
0x63: {  	[tilespmem:v61+s9+$0x0] =	vst.idx.add.f32.msk vm0, v8  }
0x64: {  	v63 =	vadd.s32 v4, v7;
	v8 =	vld.idx.msk [tilespmem:v62+s2+$0x0], $0xffff  }
0x65: {  	v6 =	vor.u32 $0x3, v6;
	_ =	sdelay $0x3  }
0x66: {  	[tilespmem:v63+s9+$0x0] =	vst.idx.add.f32.msk vm0, v8  }
0x67: {  	s31 =	simm.s32 $0x10;
	v7 =	vadd.s32 v5, v7;
	v8 =	vld.idx.msk [tilespmem:v6+s2+$0x0], $0xffff  }
0x68: {  	v6 =	vmov s31  }
0x69: {  	v6 =	vshll.u32 v6, $0x2  }
0x6a: {  	v6 =	vor.u32 v2, v6;
	_ =	sdelay $0x1  }
0x6b: {  	s14 =	simm.s32 $0x1410;
	s13 =	simm.s32 $0x20;
	[tilespmem:v7+s9+$0x0] =	vst.idx.add.f32.msk vm0, v8  }
.LBB2_2:
0x6c: {  	p0 =	sne.s32 s13, $0x3F0;
	v7 =	vld [tilespmem:s14+$0x0];
	s12 =	sadd.s32 $0x10, s12  }
0x6d: {  	v8 =	vld [tilespmem:s12+$0x0]  }
0x6e: {  	v9 =	vld.idx.msk [tilespmem:v6+s2+$0x0], $0xffff;
	_ =	sdelay $0x3  }
0x6f: {  	vm0 =	veq.s32 v7, $0x0;
	v7 =	vshll.u32 v8, $0x2  }
0x70: {  	v8 =	vadd.s32 v0, v7  }
0x71: {  	v10 =	vor.u32 $0x1, v6;
	_ =	sdelay $0x3  }
0x72: {  	[tilespmem:v8+s9+$0x0] =	vst.idx.add.f32.msk vm0, v9  }
0x73: {  	v8 =	vld.idx.msk [tilespmem:v10+s2+$0x0], $0xffff  }
0x74: {  	v9 =	vadd.s32 v3, v7  }
0x75: {  	v10 =	vor.u32 $0x2, v6;
	_ =	sdelay $0x3  }
0x76: {  	[tilespmem:v9+s9+$0x0] =	vst.idx.add.f32.msk vm0, v8  }
0x77: {  	v8 =	vld.idx.msk [tilespmem:v10+s2+$0x0], $0xffff  }
0x78: {  	v9 =	vadd.s32 v4, v7  }
0x79: {  	v6 =	vor.u32 $0x3, v6;
	_ =	sdelay $0x3  }
0x7a: {  	[tilespmem:v9+s9+$0x0] =	vst.idx.add.f32.msk vm0, v8  }
0x7b: {  	v8 =	vld.idx.msk [tilespmem:v6+s2+$0x0], $0xffff  }
0x7c: {  	v7 =	vadd.s32 v5, v7  }
.Ltmp0:
0x7d: {  	v6 =	vmov s13;
	(pc) =	sbr.rel @p0 .LBB2_2-.Ltmp0, $3  }
0x7e: {  	v6 =	vshll.u32 v6, $0x2  }
0x7f: {  	v6 =	vor.u32 v2, v6;
	_ =	sdelay $0x1  }
0x80: {  	s14 =	sadd.s32 $0x10, s14;
	s13 =	sadd.s32 $0x10, s13;
	[tilespmem:v7+s9+$0x0] =	vst.idx.add.f32.msk vm0, v8  }
0x81: {  	v7 =	vld [tilespmem:s14+$0x0];
	s12 =	sadd.s32 $0x10, s12  }
0x82: {  	v8 =	vld [tilespmem:s12+$0x0];
	_ =	sdelay $0x4  }
0x83: {  	vm0 =	veq.s32 v7, $0x0;
	v7 =	vshll.u32 v8, $0x2  }
0x84: {  	v53 =	vld.idx.msk [tilespmem:v6+s2+$0x0], $0xffff;
	v9 =	vadd.s32 v0, v7  }
0x85: {  	v10 =	vor.u32 $0x1, v6;
	_ =	sdelay $0x3  }
0x86: {  	[tilespmem:v9+s9+$0x0] =	vst.idx.add.f32.msk vm0, v53  }
0x87: {  	v54 =	vadd.s32 v3, v7;
	v8 =	vld.idx.msk [tilespmem:v10+s2+$0x0], $0xffff  }
0x88: {  	v55 =	vor.u32 $0x2, v6;
	_ =	sdelay $0x3  }
0x89: {  	[tilespmem:v54+s9+$0x0] =	vst.idx.add.f32.msk vm0, v8  }
0x8a: {  	v56 =	vadd.s32 v4, v7;
	v8 =	vld.idx.msk [tilespmem:v55+s2+$0x0], $0xffff  }
0x8b: {  	v6 =	vor.u32 $0x3, v6;
	_ =	sdelay $0x3  }
0x8c: {  	[tilespmem:v56+s9+$0x0] =	vst.idx.add.f32.msk vm0, v8  }
0x8d: {  	v7 =	vadd.s32 v5, v7;
	v6 =	vld.idx.msk [tilespmem:v6+s2+$0x0], $0xffff;
	_ =	sdelay $0x4  }
0x8e: {  	[tilespmem:v7+s9+$0x0] =	vst.idx.add.f32.msk vm0, v6  }
0x8f: {  	v6 =	vld [tilespmem:$0x1800]  }
0x90: {  	v7 =	vld [tilespmem:$0x1840]  }
0x91: {  	v8 =	vld [tilespmem:$0x1880]  }
0x92: {  	v9 =	vld [tilespmem:$0x18C0]  }
0x93: {  	v57 =	vld [tilespmem:$0x1900]  }
0x94: {  	v11 =	vld [tilespmem:$0x1940]  }
0x95: {  	v12 =	vld [tilespmem:$0x1980]  }
0x96: {  	v13 =	vld [tilespmem:$0x19C0]  }
0x97: {  	v14 =	vld [tilespmem:$0x1A00]  }
0x98: {  	v15 =	vld [tilespmem:$0x1A40]  }
0x99: {  	v16 =	vld [tilespmem:$0x1A80]  }
0x9a: {  	v17 =	vld [tilespmem:$0x1AC0]  }
0x9b: {  	v18 =	vld [tilespmem:$0x1B00]  }
0x9c: {  	v19 =	vld [tilespmem:$0x1B40]  }
0x9d: {  	v20 =	vld [tilespmem:$0x1B80]  }
0x9e: {  	v21 =	vld [tilespmem:$0x1BC0]  }
0x9f: {  	v22 =	vld [tilespmem:$0x1810]  }
0xa0: {  	v23 =	vld [tilespmem:$0x1850]  }
0xa1: {  	v24 =	vld [tilespmem:$0x1890]  }
0xa2: {  	v25 =	vld [tilespmem:$0x18D0]  }
0xa3: {  	v26 =	vld [tilespmem:$0x1910]  }
0xa4: {  	v27 =	vld [tilespmem:$0x1950]  }
0xa5: {  	v28 =	vld [tilespmem:$0x1990]  }
0xa6: {  	v29 =	vld [tilespmem:$0x19D0]  }
0xa7: {  	v30 =	vld [tilespmem:$0x1A10]  }
0xa8: {  	v31 =	vld [tilespmem:$0x1A50]  }
0xa9: {  	v32 =	vld [tilespmem:$0x1A90]  }
0xaa: {  	v33 =	vld [tilespmem:$0x1AD0]  }
0xab: {  	v34 =	vld [tilespmem:$0x1B10]  }
0xac: {  	v35 =	vld [tilespmem:$0x1B50]  }
0xad: {  	v36 =	vld [tilespmem:$0x1B90]  }
0xae: {  	v37 =	vld [tilespmem:$0x1BD0]  }
0xaf: {  	v38 =	vld [tilespmem:$0x1820]  }
0xb0: {  	v39 =	vld [tilespmem:$0x1830]  }
0xb1: {  	v40 =	vld [tilespmem:$0x1860]  }
0xb2: {  	v41 =	vld [tilespmem:$0x1870];
	v6 =	vadd.f32 $0.0e+00, v6  }
0xb3: {  	v42 =	vld [tilespmem:$0x18A0];
	v22 =	vadd.f32 $0.0e+00, v22  }
0xb4: {  	v58 =	vld [tilespmem:$0x18B0];
	v6 =	vadd.f32 v7, v6;
	v7 =	vadd.f32 $0.0e+00, v38  }
0xb5: {  	v59 =	vld [tilespmem:$0x18E0];
	v39 =	vadd.f32 $0.0e+00, v39;
	v22 =	vadd.f32 v23, v22  }
0xb6: {  	v60 =	vld [tilespmem:$0x18F0];
	v6 =	vadd.f32 v8, v6;
	v7 =	vadd.f32 v40, v7  }
0xb7: {  	v62 =	vld [tilespmem:$0x1920];
	v61 =	vadd.f32 v41, v39;
	v22 =	vadd.f32 v24, v22  }
0xb8: {  	v63 =	vld [tilespmem:$0x1930];
	v6 =	vadd.f32 v9, v6;
	v7 =	vadd.f32 v42, v7  }
0xb9: {  	v24 =	vadd.f32 v58, v61;
	v40 =	vld [tilespmem:$0x1960];
	v22 =	vadd.f32 v25, v22  }
0xba: {  	v41 =	vld [tilespmem:$0x1970];
	v6 =	vadd.f32 v57, v6;
	v7 =	vadd.f32 v59, v7  }
0xbb: {  	v8 =	vadd.f32 v60, v24;
	v42 =	vld [tilespmem:$0x19A0];
	v22 =	vadd.f32 v26, v22  }
0xbc: {  	v43 =	vld [tilespmem:$0x19B0];
	v6 =	vadd.f32 v11, v6;
	v7 =	vadd.f32 v62, v7  }
0xbd: {  	v44 =	vld [tilespmem:$0x19E0];
	v8 =	vadd.f32 v63, v8;
	v22 =	vadd.f32 v27, v22  }
0xbe: {  	v45 =	vld [tilespmem:$0x19F0];
	v6 =	vadd.f32 v12, v6;
	v7 =	vadd.f32 v40, v7  }
0xbf: {  	v46 =	vld [tilespmem:$0x1A20];
	v8 =	vadd.f32 v41, v8;
	v22 =	vadd.f32 v28, v22  }
0xc0: {  	v47 =	vld [tilespmem:$0x1A30];
	v6 =	vadd.f32 v13, v6;
	v7 =	vadd.f32 v42, v7  }
0xc1: {  	v48 =	vld [tilespmem:$0x1A60];
	v8 =	vadd.f32 v43, v8;
	v22 =	vadd.f32 v29, v22  }
0xc2: {  	v49 =	vld [tilespmem:$0x1A70];
	v6 =	vadd.f32 v14, v6;
	v7 =	vadd.f32 v44, v7  }
0xc3: {  	v51 =	vld [tilespmem:$0x1AA0];
	v8 =	vadd.f32 v45, v8;
	v50 =	vadd.f32 v30, v22  }
0xc4: {  	v52 =	vld [tilespmem:$0x1AB0];
	v6 =	vadd.f32 v15, v6;
	v7 =	vadd.f32 v46, v7  }
0xc5: {  	v53 =	vld [tilespmem:$0x1AE0];
	v8 =	vadd.f32 v47, v8;
	v14 =	vadd.f32 v31, v50  }
0xc6: {  	v54 =	vld [tilespmem:$0x1AF0];
	v6 =	vadd.f32 v16, v6;
	v7 =	vadd.f32 v48, v7  }
0xc7: {  	v55 =	vld [tilespmem:$0x1B20];
	v8 =	vadd.f32 v49, v8;
	v14 =	vadd.f32 v32, v14  }
0xc8: {  	v56 =	vld [tilespmem:$0x1B30];
	v6 =	vadd.f32 v17, v6;
	v7 =	vadd.f32 v51, v7  }
0xc9: {  	v57 =	vld [tilespmem:$0x1B60];
	v8 =	vadd.f32 v52, v8;
	v14 =	vadd.f32 v33, v14  }
0xca: {  	v58 =	vld [tilespmem:$0x1B70];
	v6 =	vadd.f32 v18, v6;
	v7 =	vadd.f32 v53, v7  }
0xcb: {  	v59 =	vld [tilespmem:$0x1BA0];
	v8 =	vadd.f32 v54, v8;
	v14 =	vadd.f32 v34, v14  }
0xcc: {  	v60 =	vld [tilespmem:$0x1BB0];
	v6 =	vadd.f32 v19, v6;
	v7 =	vadd.f32 v55, v7  }
0xcd: {  	v61 =	vld [tilespmem:$0x1BE0];
	v8 =	vadd.f32 v56, v8;
	v14 =	vadd.f32 v35, v14  }
0xce: {  	v62 =	vld [tilespmem:$0x1BF0];
	v6 =	vadd.f32 v20, v6;
	v7 =	vadd.f32 v57, v7  }
0xcf: {  	v8 =	vadd.f32 v58, v8;
	v14 =	vadd.f32 v36, v14  }
0xd0: {  	v6 =	vadd.f32 v21, v6;
	v7 =	vadd.f32 v59, v7  }
0xd1: {  	v8 =	vadd.f32 v60, v8;
	v63 =	vadd.f32 v37, v14  }
0xd2: {  	[tilespmem:$0x1C00] =	vst v6;
	v6 =	vadd.f32 v61, v7  }
0xd3: {  	s11 =	sadd.s32 $0x1, s11;
	[tilespmem:$0x1C10] =	vst v63;
	v7 =	vadd.f32 v62, v8  }
0xd4: {  	p0 =	sne.s32 s11, s7;
	[tilespmem:$0x1C20] =	vst v6  }
.Ltmp1:
0xd5: {  	[tilespmem:$0x1C30] =	vst v7;
	(pc) =	sbr.rel @p0 .LBB2_1-.Ltmp1, $4  }
0xd6: {  	[hbm4b:s6+s2] =	stream.linear.scatter [tilespmem:s10], [sflag:$0x1], $0x80, $0x38;
	[tilespmem:$0x1C80] =	vst v63  }
0xd7: {  	_ =	swait.ge [sflag:s8], $0x80  }
0xd8: {  	[sflag:s8] =	ssyncset.done $0x0  }
0xd9: {  	[sflag:s8] =	ssyncadd.s32 $0xFFFFFF80  }
0xda: {  	_ =	sfence.sel $0x180000  }
0xdb: {  	[bflag:$0x0] =	sbarrier.arrive $0xFFFF  }
0xdc: {  	p0 =	sne.s32 s1, $0x0;
	_ =	strace $0x90000047  }
0xdd: {  	s0 =	sadd.s32 @!p0 $0x100000, s0;
	[bflag:$0x2] =	sbarrier.arrive $0xFFFF  }
0xde: {  	[sflag:s0] =	ssyncadd.tile.s32 @!p0 $0x1;
	_ =	shalt  }
.Lfunc_end2:
_tile_overlayer_lowered:
.L_overlay_start_2:
0xdf: {  	(tag) =	ssettag $0x2  }
0xe0: {  	s0 =	rddreg [dreg:$0x0];
	s2 =	stileid.u32  }
0xe1: {  	s1 =	rddreg [dreg:$0x1];
	p0 =	sne.s32 s2, $0x0  }
0xe2: {  	s3 =	rddreg [dreg:$0x2];
	[bflag:$0x3] =	sbarrier.arrive $0xFFFF;
	s2 =	simm.s32 @!p0 $0x1C01  }
0xe3: {  	[timem:s3], [sflag:s2] =	dma.local @!p0 [hbm:s0], s1  }
0xe4: {  	s0 =	simm.s32 @!p0 $0x1  }
0xe5: {  	_ =	swait.ge @!p0 [sflag:s0], s1  }
0xe6: {  	s1 =	ssub.s32 @!p0 $0x0, s1;
	[sflag:s0] =	ssyncset.done @!p0 $0x0  }
0xe7: {  	[sflag:s0] =	ssyncadd.s32 @!p0 s1  }
0xe8: {  	[bflag:$0x3] =	sbarrier.arrive $0xFFFF  }
0xe9: {  	_ =	shalt  }

</sc_bundles>
